<compile_context>
chip_gen: v7x
topology: tpu7x:2x2x1
jax: 0.10.2.dev20260603
libtpu: 0.0.44.dev20260713+nightly
codegen_flags: <defaults>
</compile_context>

<pallas_src>
import jax
import jax.numpy as jnp
from jax import lax
from jax.experimental import pallas as pl
from jax.experimental.pallas import tpu as pltpu
from jax.experimental.pallas import tpu_sc as plsc

DIM = 128
N_SC = 27
N_GANA = 12
N_TT = 6
NCOMB = N_SC * N_GANA * N_TT
B, L = 4096, 200
NTOK = B * L

NC, NS = 2, 16
NW = NC * NS
CHUNK = 128
TOK_PER_W = NTOK // NW
CHUNKS_PER_W = TOK_PER_W // CHUNK
IDX_ROWS = NTOK // CHUNK
ROWS_PER_W = IDX_ROWS // NW


def _table_body(sc_ref, gn_ref, tt_ref, w_ref, b_ref, g_ref, beta_ref, out_ref):
    w = w_ref[...]
    nt = (((1,), (1,)), ((), ()))
    a_proj = lax.dot_general(sc_ref[...], w[:, :DIM], nt,
                             preferred_element_type=jnp.float32)
    g_proj = lax.dot_general(gn_ref[...], w[:, DIM:DIM + DIM // 4], nt,
                             preferred_element_type=jnp.float32)
    t_proj = lax.dot_general(tt_ref[...], w[:, DIM + DIM // 4:], nt,
                             preferred_element_type=jnp.float32)

    def expand(proj, n, div, mod):
        r = lax.broadcasted_iota(jnp.int32, (NCOMB, n), 0)
        c = lax.broadcasted_iota(jnp.int32, (NCOMB, n), 1)
        oh = ((r // div) % mod == c).astype(jnp.float32)
        return lax.dot_general(oh, proj, (((1,), (0,)), ((), ())),
                               preferred_element_type=jnp.float32)

    x = (expand(a_proj, N_SC, N_GANA * N_TT, N_SC)
         + expand(g_proj, N_GANA, N_TT, N_GANA)
         + expand(t_proj, N_TT, 1, N_TT)
         + b_ref[...])
    mean = jnp.mean(x, axis=-1, keepdims=True)
    xc = x - mean
    var = jnp.mean(xc * xc, axis=-1, keepdims=True)
    out_ref[...] = xc / jnp.sqrt(var + 1e-5) * g_ref[...] + beta_ref[...]


def _tc_body(a_ref, b_ref, c_ref, sc_ref, gn_ref, tt_ref, w_ref, bias_ref,
             g_ref, beta_ref, idx_ref, tbl_ref):
    idx_ref[...] = (a_ref[...] * (N_GANA * N_TT) + b_ref[...] * N_TT
                    + c_ref[...])

    @pl.when(pl.program_id(0) == 0)
    def _():
        _table_body(sc_ref, gn_ref, tt_ref, w_ref, bias_ref, g_ref, beta_ref,
                    tbl_ref)


NBUF = 5
LA = 2


def _gather_body(table_hbm, idx_hbm, out_hbm, idx_v, rows_v, tbl_sh, gsem, ssem):
    sid = lax.axis_index("s")
    wid = sid * NC + lax.axis_index("c")

    @pl.when(sid == 0)
    def _():
        pltpu.sync_copy(table_hbm, tbl_sh)

    pltpu.sync_copy(idx_hbm.at[pl.ds(wid * ROWS_PER_W, ROWS_PER_W)], idx_v)
    plsc.subcore_barrier()
    base = wid * TOK_PER_W

    def g_copy(c, b):
        return pltpu.make_async_copy(
            tbl_sh.at[idx_v.at[c]], rows_v.at[b], gsem.at[b])

    def s_copy(c, b):
        return pltpu.make_async_copy(
            rows_v.at[b], out_hbm.at[pl.ds(base + c * CHUNK, CHUNK)],
            ssem.at[b])

    def step(c, b, do_swait, do_gissue):
        bg = (b + LA) % NBUF
        if do_swait:
            s_copy(c - (NBUF - LA), bg).wait()
        if do_gissue:
            g_copy(c + LA, bg).start()
        g_copy(c, b).wait()
        s_copy(c, b).start()

    for c in range(LA):
        g_copy(c, c).start()
    for b in range(NBUF):
        step(b, b, do_swait=b >= NBUF - LA, do_gissue=True)

    def group(g, _):
        for b in range(NBUF):
            step(g * NBUF + b, b, do_swait=True, do_gissue=True)
        return 0

    lax.fori_loop(1, CHUNKS_PER_W // NBUF - 1, group, 0)

    for b in range(NBUF):
        c = CHUNKS_PER_W - NBUF + b
        step(c, b, do_swait=True, do_gissue=c + LA < CHUNKS_PER_W)
    for c in range(CHUNKS_PER_W - (NBUF - LA), CHUNKS_PER_W):
        s_copy(c, c % NBUF).wait()


def kernel(semantic_class_ids, gana_ids, token_type_ids, sc_table, gana_table,
           tt_table, fuse_w, fuse_b, ln_gamma, ln_beta):
    grid = 8
    in_blk = pl.BlockSpec((B // grid, L), lambda i: (i, 0))
    full = lambda shape: pl.BlockSpec(shape, lambda i: (0,) * len(shape))
    idx, table = pl.pallas_call(
        _tc_body,
        grid=(grid,),
        in_specs=[in_blk, in_blk, in_blk,
                  full((N_SC, DIM)), full((N_GANA, DIM // 4)),
                  full((N_TT, DIM // 2)), full((DIM, DIM + DIM // 4 + DIM // 2)),
                  full((1, DIM)), full((1, DIM)), full((1, DIM))],
        out_specs=[in_blk, full((NCOMB, DIM))],
        out_shape=[jax.ShapeDtypeStruct((B, L), jnp.int32),
                   jax.ShapeDtypeStruct((NCOMB, DIM), jnp.float32)],
    )(semantic_class_ids.astype(jnp.int32), gana_ids.astype(jnp.int32),
      token_type_ids.astype(jnp.int32), sc_table, gana_table, tt_table, fuse_w,
      fuse_b.reshape(1, DIM), ln_gamma.reshape(1, DIM), ln_beta.reshape(1, DIM))
    idx = idx.reshape(IDX_ROWS, CHUNK)

    mesh = plsc.VectorSubcoreMesh(core_axis_name="c", subcore_axis_name="s")
    gather = pl.kernel(
        _gather_body,
        out_type=jax.ShapeDtypeStruct((NTOK, DIM), jnp.float32),
        mesh=mesh,
        scratch_types=[
            pltpu.VMEM((ROWS_PER_W, CHUNK), jnp.int32),
            pltpu.VMEM((NBUF, CHUNK, DIM), jnp.float32),
            pltpu.VMEM_SHARED((NCOMB, DIM), jnp.float32),
            pltpu.SemaphoreType.DMA((NBUF,)),
            pltpu.SemaphoreType.DMA((NBUF,)),
        ],
    )
    out = gather(table, idx)
    return out.reshape(B, L, DIM)

# --- scband reference (transcript-rebuilt; emitter-appended) ---
"""Pipeline reference for scband-morphological-encoder-11201274708078 (READ-ONLY COPY).

The authoritative reference and input builder live on the scoring server;
editing this copy changes nothing except your own understanding.
"""

import jax, jax.numpy as jnp
import numpy as np

DIM = 128
NUM_SC = 25 + 2  # max(len(by_class), 25) + 2 -> assume 25 classes -> 27 rows
NUM_GANA = 12
NUM_TT = 6
B, L = 4096, 200


def setup_inputs(seed: int = 0) -> dict:
    key = jax.random.key(seed)
    ks = jax.random.split(key, 8)
    semantic_class_ids = jax.random.randint(ks[0], (B, L), 0, NUM_SC, dtype=jnp.int32).astype(jnp.int64) if False else jax.random.randint(ks[0], (B, L), 0, NUM_SC)
    gana_ids = jax.random.randint(ks[1], (B, L), 0, NUM_GANA)
    token_type_ids = jax.random.randint(ks[2], (B, L), 0, NUM_TT)
    sc_table = jax.random.normal(ks[3], (NUM_SC, DIM), dtype=jnp.float32)
    gana_table = jax.random.normal(ks[4], (NUM_GANA, DIM // 4), dtype=jnp.float32)
    tt_table = jax.random.normal(ks[5], (NUM_TT, DIM // 2), dtype=jnp.float32)
    fuse_in = DIM + DIM // 4 + DIM // 2  # 224
    fuse_w = jax.random.normal(ks[6], (DIM, fuse_in), dtype=jnp.float32) * (1.0 / np.sqrt(fuse_in))
    fuse_b = jnp.zeros((DIM,), dtype=jnp.float32)
    ln_gamma = jnp.ones((DIM,), dtype=jnp.float32)
    ln_beta = jnp.zeros((DIM,), dtype=jnp.float32)
    return {
        "semantic_class_ids": semantic_class_ids,
        "gana_ids": gana_ids,
        "token_type_ids": token_type_ids,
        "sc_table": sc_table,
        "gana_table": gana_table,
        "tt_table": tt_table,
        "fuse_w": fuse_w,
        "fuse_b": fuse_b,
        "ln_gamma": ln_gamma,
        "ln_beta": ln_beta,
    }


def reference(semantic_class_ids, gana_ids, token_type_ids, sc_table, gana_table, tt_table, fuse_w, fuse_b, ln_gamma, ln_beta):
    sc = jnp.take(sc_table, semantic_class_ids, axis=0)
    gn = jnp.take(gana_table, gana_ids, axis=0)
    tt = jnp.take(tt_table, token_type_ids, axis=0)
    fused = jnp.concatenate([sc, gn, tt], axis=-1)
    x = jnp.dot(fused, fuse_w.T) + fuse_b
    mean = jnp.mean(x, axis=-1, keepdims=True)
    var = jnp.mean((x - mean) ** 2, axis=-1, keepdims=True)
    out = (x - mean) / jnp.sqrt(var + 1e-5) * ln_gamma + ln_beta
    return out

if __name__ == "__main__":
    import jax
    _d = setup_inputs()
    print(jax.jit(kernel)(*tuple(_d.values())))

</pallas_src>

<mosaic_0001>
#map = affine_map<(d0, d1) -> (0, 0)>
module attributes {stable_mosaic.version = 14 : i64} {
  func.func @_gather_body(%arg0: i32, %arg1: i32, %arg2: memref<1944x128xf32, #tpu.memory_space<hbm>>, %arg3: memref<6400x128xi32, #tpu.memory_space<hbm>>, %arg4: memref<819200x128xf32, #tpu.memory_space<hbm>>, %arg5: memref<200x128xi32, #tpu.memory_space<vmem>>, %arg6: memref<5x128x128xf32, #tpu.memory_space<vmem>>, %arg7: memref<1944x128xf32, #tpu.memory_space<vmem_shared>>, %arg8: memref<5x!tpu.dma_semaphore, #tpu.memory_space<semaphore_mem>>, %arg9: memref<5x!tpu.dma_semaphore, #tpu.memory_space<semaphore_mem>>) attributes {dimension_semantics = [#tpu.dimension_semantics<core_parallel>, #tpu.dimension_semantics<subcore_parallel>], iteration_bounds = array<i64: 2, 16>, scalar_prefetch = 0 : i64, scratch_operands = 5 : i64, tpu.core_type = #tpu.core_type<sc_vector_subcore>, window_params = [{transform_indices = #map}, {transform_indices = #map}, {transform_indices = #map}]} {
    %mul3A = arith.constant 2 : i32
    %mul3A_0 = arith.muli %arg1, %mul3A : i32
    %add3A = arith.addi %mul3A_0, %arg0 : i32
    %eq3A = arith.constant 0 : i32
    %eq3A_1 = arith.cmpi eq, %arg1, %eq3A : i32
    %convert_element_type3A = arith.extui %eq3A_1 : i1 to i32
    %cond3A = arith.constant 0 : i32
    %cond3A_2 = arith.cmpi ne, %convert_element_type3A, %cond3A : i32
    scf.if %cond3A_2 {
      "tpu.region"() ({
        %run_scoped3A = tpu.sem_alloc : memref<!tpu.dma_semaphore, #tpu.memory_space<semaphore_mem>>
        tpu.enqueue_dma source(%arg2 : memref<1944x128xf32, #tpu.memory_space<hbm>>) target(%arg7 : memref<1944x128xf32, #tpu.memory_space<vmem_shared>>) target_semaphore(%run_scoped3A : memref<!tpu.dma_semaphore, #tpu.memory_space<semaphore_mem>>)
        tpu.wait_dma2 semaphore(%run_scoped3A : memref<!tpu.dma_semaphore, #tpu.memory_space<semaphore_mem>>) src(%arg2 : memref<1944x128xf32, #tpu.memory_space<hbm>>) dst(%arg7 : memref<1944x128xf32, #tpu.memory_space<vmem_shared>>)
        tpu.yield
      }) : () -> ()
    } else {
    }
    %mul3A_3 = arith.constant 200 : i32
    %mul3A_4 = arith.muli %add3A, %mul3A_3 : i32
    "tpu.region"() ({
      %run_scoped3A = tpu.sem_alloc : memref<!tpu.dma_semaphore, #tpu.memory_space<semaphore_mem>>
      %dma_start3A_671 = arith.constant 0 : i32
      %dma_start3A_672 = tpu.memref_slice %arg3[%mul3A_4, %dma_start3A_671] : memref<6400x128xi32, #tpu.memory_space<hbm>> -> memref<200x128xi32, #tpu.memory_space<hbm>>
      %dma_start3A_673 = arith.constant 0 : i32
      %dma_start3A_674 = tpu.memref_slice %arg3[%mul3A_4, %dma_start3A_673] : memref<6400x128xi32, #tpu.memory_space<hbm>> -> memref<200x128xi32, #tpu.memory_space<hbm>>
      tpu.enqueue_dma source(%dma_start3A_674 : memref<200x128xi32, #tpu.memory_space<hbm>>) target(%arg5 : memref<200x128xi32, #tpu.memory_space<vmem>>) target_semaphore(%run_scoped3A : memref<!tpu.dma_semaphore, #tpu.memory_space<semaphore_mem>>)
      %dma_wait3A_675 = arith.constant 0 : i32
      %dma_wait3A_676 = tpu.memref_slice %arg3[%mul3A_4, %dma_wait3A_675] : memref<6400x128xi32, #tpu.memory_space<hbm>> -> memref<200x128xi32, #tpu.memory_space<hbm>>
      %dma_wait3A_677 = arith.constant 0 : i32
      %dma_wait3A_678 = tpu.memref_slice %arg3[%mul3A_4, %dma_wait3A_677] : memref<6400x128xi32, #tpu.memory_space<hbm>> -> memref<200x128xi32, #tpu.memory_space<hbm>>
      tpu.wait_dma2 semaphore(%run_scoped3A : memref<!tpu.dma_semaphore, #tpu.memory_space<semaphore_mem>>) src(%dma_wait3A_678 : memref<200x128xi32, #tpu.memory_space<hbm>>) dst(%arg5 : memref<200x128xi32, #tpu.memory_space<vmem>>)
      tpu.yield
    }) : () -> ()
    %barrier3A = arith.constant 0 : index
    tpu.barrier barrier_id(%barrier3A)
    %mul3A_5 = arith.constant 25600 : i32
    %mul3A_6 = arith.muli %add3A, %mul3A_5 : i32
    %dma_start3A = arith.constant 0 : i32
    %dma_start3A_7 = arith.constant 0 : i32
    %dma_start3A_8 = arith.constant 0 : i32
    %dma_start3A_9 = arith.constant 0 : i32
    %dma_start3A_10 = arith.constant 0 : i32
    %dma_start3A_11 = tpu.memref_slice %arg6[%dma_start3A_7, %dma_start3A_9, %dma_start3A_10] : memref<5x128x128xf32, #tpu.memory_space<vmem>> -> memref<1x128x128xf32, #tpu.memory_space<vmem>>
    %dma_start3A_12 = tpu.memref_squeeze %dma_start3A_11 : memref<1x128x128xf32, #tpu.memory_space<vmem>> -> memref<128x128xf32, #tpu.memory_space<vmem>>
    %dma_start3A_13 = arith.constant 0 : i32
    %dma_start3A_14 = tpu.memref_slice %arg5[%dma_start3A, %dma_start3A_13] : memref<200x128xi32, #tpu.memory_space<vmem>> -> memref<1x128xi32, #tpu.memory_space<vmem>>
    %dma_start3A_15 = tpu.memref_squeeze %dma_start3A_14 : memref<1x128xi32, #tpu.memory_space<vmem>> -> memref<128xi32, #tpu.memory_space<vmem>>
    %dma_start3A_16 = arith.constant 0 : i32
    %dma_start3A_17 = arith.constant 0 : i32
    %dma_start3A_18 = tpu.memref_slice %arg7[%dma_start3A_16, %dma_start3A_17] : memref<1944x128xf32, #tpu.memory_space<vmem_shared>> -> memref<1944x128xf32, #tpu.memory_space<vmem_shared>>
    %dma_start3A_19 = tpu.memref_slice %arg8[%dma_start3A_8] : memref<5x!tpu.dma_semaphore, #tpu.memory_space<semaphore_mem>> -> memref<1x!tpu.dma_semaphore, #tpu.memory_space<semaphore_mem>>
    %dma_start3A_20 = tpu.memref_squeeze %dma_start3A_19 : memref<1x!tpu.dma_semaphore, #tpu.memory_space<semaphore_mem>> -> memref<!tpu.dma_semaphore, #tpu.memory_space<semaphore_mem>>
    tpu.enqueue_indirect_dma source(%dma_start3A_18 : memref<1944x128xf32, #tpu.memory_space<vmem_shared>>) target(%dma_start3A_12 : memref<128x128xf32, #tpu.memory_space<vmem>>) offsets(%dma_start3A_15 : memref<128xi32, #tpu.memory_space<vmem>>) semaphore(%dma_start3A_20 : memref<!tpu.dma_semaphore, #tpu.memory_space<semaphore_mem>>)
    %dma_start3A_21 = arith.constant 1 : i32
    %dma_start3A_22 = arith.constant 1 : i32
    %dma_start3A_23 = arith.constant 1 : i32
    %dma_start3A_24 = arith.constant 0 : i32
    %dma_start3A_25 = arith.constant 0 : i32
    %dma_start3A_26 = tpu.memref_slice %arg6[%dma_start3A_22, %dma_start3A_24, %dma_start3A_25] : memref<5x128x128xf32, #tpu.memory_space<vmem>> -> memref<1x128x128xf32, #tpu.memory_space<vmem>>
    %dma_start3A_27 = tpu.memref_squeeze %dma_start3A_26 : memref<1x128x128xf32, #tpu.memory_space<vmem>> -> memref<128x128xf32, #tpu.memory_space<vmem>>
    %dma_start3A_28 = arith.constant 0 : i32
    %dma_start3A_29 = tpu.memref_slice %arg5[%dma_start3A_21, %dma_start3A_28] : memref<200x128xi32, #tpu.memory_space<vmem>> -> memref<1x128xi32, #tpu.memory_space<vmem>>
    %dma_start3A_30 = tpu.memref_squeeze %dma_start3A_29 : memref<1x128xi32, #tpu.memory_space<vmem>> -> memref<128xi32, #tpu.memory_space<vmem>>
    %dma_start3A_31 = arith.constant 0 : i32
    %dma_start3A_32 = arith.constant 0 : i32
    %dma_start3A_33 = tpu.memref_slice %arg7[%dma_start3A_31, %dma_start3A_32] : memref<1944x128xf32, #tpu.memory_space<vmem_shared>> -> memref<1944x128xf32, #tpu.memory_space<vmem_shared>>
    %dma_start3A_34 = tpu.memref_slice %arg8[%dma_start3A_23] : memref<5x!tpu.dma_semaphore, #tpu.memory_space<semaphore_mem>> -> memref<1x!tpu.dma_semaphore, #tpu.memory_space<semaphore_mem>>
    %dma_start3A_35 = tpu.memref_squeeze %dma_start3A_34 : memref<1x!tpu.dma_semaphore, #tpu.memory_space<semaphore_mem>> -> memref<!tpu.dma_semaphore, #tpu.memory_space<semaphore_mem>>
    tpu.enqueue_indirect_dma source(%dma_start3A_33 : memref<1944x128xf32, #tpu.memory_space<vmem_shared>>) target(%dma_start3A_27 : memref<128x128xf32, #tpu.memory_space<vmem>>) offsets(%dma_start3A_30 : memref<128xi32, #tpu.memory_space<vmem>>) semaphore(%dma_start3A_35 : memref<!tpu.dma_semaphore, #tpu.memory_space<semaphore_mem>>)
    %dma_start3A_36 = arith.constant 2 : i32
    %dma_start3A_37 = arith.constant 2 : i32
    %dma_start3A_38 = arith.constant 2 : i32
    %dma_start3A_39 = arith.constant 0 : i32
    %dma_start3A_40 = arith.constant 0 : i32
    %dma_start3A_41 = tpu.memref_slice %arg6[%dma_start3A_37, %dma_start3A_39, %dma_start3A_40] : memref<5x128x128xf32, #tpu.memory_space<vmem>> -> memref<1x128x128xf32, #tpu.memory_space<vmem>>
    %dma_start3A_42 = tpu.memref_squeeze %dma_start3A_41 : memref<1x128x128xf32, #tpu.memory_space<vmem>> -> memref<128x128xf32, #tpu.memory_space<vmem>>
    %dma_start3A_43 = arith.constant 0 : i32
    %dma_start3A_44 = tpu.memref_slice %arg5[%dma_start3A_36, %dma_start3A_43] : memref<200x128xi32, #tpu.memory_space<vmem>> -> memref<1x128xi32, #tpu.memory_space<vmem>>
    %dma_start3A_45 = tpu.memref_squeeze %dma_start3A_44 : memref<1x128xi32, #tpu.memory_space<vmem>> -> memref<128xi32, #tpu.memory_space<vmem>>
    %dma_start3A_46 = arith.constant 0 : i32
    %dma_start3A_47 = arith.constant 0 : i32
    %dma_start3A_48 = tpu.memref_slice %arg7[%dma_start3A_46, %dma_start3A_47] : memref<1944x128xf32, #tpu.memory_space<vmem_shared>> -> memref<1944x128xf32, #tpu.memory_space<vmem_shared>>
    %dma_start3A_49 = tpu.memref_slice %arg8[%dma_start3A_38] : memref<5x!tpu.dma_semaphore, #tpu.memory_space<semaphore_mem>> -> memref<1x!tpu.dma_semaphore, #tpu.memory_space<semaphore_mem>>
    %dma_start3A_50 = tpu.memref_squeeze %dma_start3A_49 : memref<1x!tpu.dma_semaphore, #tpu.memory_space<semaphore_mem>> -> memref<!tpu.dma_semaphore, #tpu.memory_space<semaphore_mem>>
    tpu.enqueue_indirect_dma source(%dma_start3A_48 : memref<1944x128xf32, #tpu.memory_space<vmem_shared>>) target(%dma_start3A_42 : memref<128x128xf32, #tpu.memory_space<vmem>>) offsets(%dma_start3A_45 : memref<128xi32, #tpu.memory_space<vmem>>) semaphore(%dma_start3A_50 : memref<!tpu.dma_semaphore, #tpu.memory_space<semaphore_mem>>)
    %dma_wait3A = arith.constant 0 : i32
    %dma_wait3A_51 = arith.constant 0 : i32
    %dma_wait3A_52 = arith.constant 0 : i32
    %dma_wait3A_53 = arith.constant 0 : i32
    %dma_wait3A_54 = arith.constant 0 : i32
    %dma_wait3A_55 = tpu.memref_slice %arg6[%dma_wait3A_51, %dma_wait3A_53, %dma_wait3A_54] : memref<5x128x128xf32, #tpu.memory_space<vmem>> -> memref<1x128x128xf32, #tpu.memory_space<vmem>>
    %dma_wait3A_56 = tpu.memref_squeeze %dma_wait3A_55 : memref<1x128x128xf32, #tpu.memory_space<vmem>> -> memref<128x128xf32, #tpu.memory_space<vmem>>
    %dma_wait3A_57 = arith.constant 0 : i32
    %dma_wait3A_58 = tpu.memref_slice %arg5[%dma_wait3A, %dma_wait3A_57] : memref<200x128xi32, #tpu.memory_space<vmem>> -> memref<1x128xi32, #tpu.memory_space<vmem>>
    %dma_wait3A_59 = tpu.memref_squeeze %dma_wait3A_58 : memref<1x128xi32, #tpu.memory_space<vmem>> -> memref<128xi32, #tpu.memory_space<vmem>>
    %dma_wait3A_60 = arith.constant 0 : i32
    %dma_wait3A_61 = arith.constant 0 : i32
    %dma_wait3A_62 = tpu.memref_slice %arg7[%dma_wait3A_60, %dma_wait3A_61] : memref<1944x128xf32, #tpu.memory_space<vmem_shared>> -> memref<1944x128xf32, #tpu.memory_space<vmem_shared>>
    %dma_wait3A_63 = tpu.memref_slice %arg8[%dma_wait3A_52] : memref<5x!tpu.dma_semaphore, #tpu.memory_space<semaphore_mem>> -> memref<1x!tpu.dma_semaphore, #tpu.memory_space<semaphore_mem>>
    %dma_wait3A_64 = tpu.memref_squeeze %dma_wait3A_63 : memref<1x!tpu.dma_semaphore, #tpu.memory_space<semaphore_mem>> -> memref<!tpu.dma_semaphore, #tpu.memory_space<semaphore_mem>>
    tpu.wait_indirect_dma semaphore(%dma_wait3A_64 : memref<!tpu.dma_semaphore, #tpu.memory_space<semaphore_mem>>) src(%dma_wait3A_62 : memref<1944x128xf32, #tpu.memory_space<vmem_shared>>) dst(%dma_wait3A_56 : memref<128x128xf32, #tpu.memory_space<vmem>>)
    %add3A_65 = arith.constant 0 : i32
    %add3A_66 = arith.addi %mul3A_6, %add3A_65 : i32
    %dma_start3A_67 = arith.constant 0 : i32
    %dma_start3A_68 = arith.constant 0 : i32
    %dma_start3A_69 = arith.constant 0 : i32
    %dma_start3A_70 = arith.constant 0 : i32
    %dma_start3A_71 = tpu.memref_slice %arg6[%dma_start3A_67, %dma_start3A_69, %dma_start3A_70] : memref<5x128x128xf32, #tpu.memory_space<vmem>> -> memref<1x128x128xf32, #tpu.memory_space<vmem>>
    %dma_start3A_72 = tpu.memref_squeeze %dma_start3A_71 : memref<1x128x128xf32, #tpu.memory_space<vmem>> -> memref<128x128xf32, #tpu.memory_space<vmem>>
    %dma_start3A_73 = arith.constant 0 : i32
    %dma_start3A_74 = tpu.memref_slice %arg4[%add3A_66, %dma_start3A_73] : memref<819200x128xf32, #tpu.memory_space<hbm>> -> memref<128x128xf32, #tpu.memory_space<hbm>>
    %dma_start3A_75 = tpu.memref_slice %arg9[%dma_start3A_68] : memref<5x!tpu.dma_semaphore, #tpu.memory_space<semaphore_mem>> -> memref<1x!tpu.dma_semaphore, #tpu.memory_space<semaphore_mem>>
    %dma_start3A_76 = tpu.memref_squeeze %dma_start3A_75 : memref<1x!tpu.dma_semaphore, #tpu.memory_space<semaphore_mem>> -> memref<!tpu.dma_semaphore, #tpu.memory_space<semaphore_mem>>
    %dma_start3A_77 = arith.constant 0 : i32
    %dma_start3A_78 = tpu.memref_slice %arg4[%add3A_66, %dma_start3A_77] : memref<819200x128xf32, #tpu.memory_space<hbm>> -> memref<128x128xf32, #tpu.memory_space<hbm>>
    %dma_start3A_79 = arith.constant 0 : i32
    %dma_start3A_80 = arith.constant 0 : i32
    %dma_start3A_81 = tpu.memref_slice %arg6[%dma_start3A_67, %dma_start3A_79, %dma_start3A_80] : memref<5x128x128xf32, #tpu.memory_space<vmem>> -> memref<1x128x128xf32, #tpu.memory_space<vmem>>
    %dma_start3A_82 = tpu.memref_squeeze %dma_start3A_81 : memref<1x128x128xf32, #tpu.memory_space<vmem>> -> memref<128x128xf32, #tpu.memory_space<vmem>>
    tpu.enqueue_dma source(%dma_start3A_82 : memref<128x128xf32, #tpu.memory_space<vmem>>) target(%dma_start3A_78 : memref<128x128xf32, #tpu.memory_space<hbm>>) target_semaphore(%dma_start3A_76 : memref<!tpu.dma_semaphore, #tpu.memory_space<semaphore_mem>>)
    %dma_start3A_83 = arith.constant 3 : i32
    %dma_start3A_84 = arith.constant 3 : i32
    %dma_start3A_85 = arith.constant 3 : i32
    %dma_start3A_86 = arith.constant 0 : i32
    %dma_start3A_87 = arith.constant 0 : i32
    %dma_start3A_88 = tpu.memref_slice %arg6[%dma_start3A_84, %dma_start3A_86, %dma_start3A_87] : memref<5x128x128xf32, #tpu.memory_space<vmem>> -> memref<1x128x128xf32, #tpu.memory_space<vmem>>
    %dma_start3A_89 = tpu.memref_squeeze %dma_start3A_88 : memref<1x128x128xf32, #tpu.memory_space<vmem>> -> memref<128x128xf32, #tpu.memory_space<vmem>>
    %dma_start3A_90 = arith.constant 0 : i32
    %dma_start3A_91 = tpu.memref_slice %arg5[%dma_start3A_83, %dma_start3A_90] : memref<200x128xi32, #tpu.memory_space<vmem>> -> memref<1x128xi32, #tpu.memory_space<vmem>>
    %dma_start3A_92 = tpu.memref_squeeze %dma_start3A_91 : memref<1x128xi32, #tpu.memory_space<vmem>> -> memref<128xi32, #tpu.memory_space<vmem>>
    %dma_start3A_93 = arith.constant 0 : i32
    %dma_start3A_94 = arith.constant 0 : i32
    %dma_start3A_95 = tpu.memref_slice %arg7[%dma_start3A_93, %dma_start3A_94] : memref<1944x128xf32, #tpu.memory_space<vmem_shared>> -> memref<1944x128xf32, #tpu.memory_space<vmem_shared>>
    %dma_start3A_96 = tpu.memref_slice %arg8[%dma_start3A_85] : memref<5x!tpu.dma_semaphore, #tpu.memory_space<semaphore_mem>> -> memref<1x!tpu.dma_semaphore, #tpu.memory_space<semaphore_mem>>
    %dma_start3A_97 = tpu.memref_squeeze %dma_start3A_96 : memref<1x!tpu.dma_semaphore, #tpu.memory_space<semaphore_mem>> -> memref<!tpu.dma_semaphore, #tpu.memory_space<semaphore_mem>>
    tpu.enqueue_indirect_dma source(%dma_start3A_95 : memref<1944x128xf32, #tpu.memory_space<vmem_shared>>) target(%dma_start3A_89 : memref<128x128xf32, #tpu.memory_space<vmem>>) offsets(%dma_start3A_92 : memref<128xi32, #tpu.memory_space<vmem>>) semaphore(%dma_start3A_97 : memref<!tpu.dma_semaphore, #tpu.memory_space<semaphore_mem>>)
    %dma_wait3A_98 = arith.constant 1 : i32
    %dma_wait3A_99 = arith.constant 1 : i32
    %dma_wait3A_100 = arith.constant 1 : i32
    %dma_wait3A_101 = arith.constant 0 : i32
    %dma_wait3A_102 = arith.constant 0 : i32
    %dma_wait3A_103 = tpu.memref_slice %arg6[%dma_wait3A_99, %dma_wait3A_101, %dma_wait3A_102] : memref<5x128x128xf32, #tpu.memory_space<vmem>> -> memref<1x128x128xf32, #tpu.memory_space<vmem>>
    %dma_wait3A_104 = tpu.memref_squeeze %dma_wait3A_103 : memref<1x128x128xf32, #tpu.memory_space<vmem>> -> memref<128x128xf32, #tpu.memory_space<vmem>>
    %dma_wait3A_105 = arith.constant 0 : i32
    %dma_wait3A_106 = tpu.memref_slice %arg5[%dma_wait3A_98, %dma_wait3A_105] : memref<200x128xi32, #tpu.memory_space<vmem>> -> memref<1x128xi32, #tpu.memory_space<vmem>>
    %dma_wait3A_107 = tpu.memref_squeeze %dma_wait3A_106 : memref<1x128xi32, #tpu.memory_space<vmem>> -> memref<128xi32, #tpu.memory_space<vmem>>
    %dma_wait3A_108 = arith.constant 0 : i32
    %dma_wait3A_109 = arith.constant 0 : i32
    %dma_wait3A_110 = tpu.memref_slice %arg7[%dma_wait3A_108, %dma_wait3A_109] : memref<1944x128xf32, #tpu.memory_space<vmem_shared>> -> memref<1944x128xf32, #tpu.memory_space<vmem_shared>>
    %dma_wait3A_111 = tpu.memref_slice %arg8[%dma_wait3A_100] : memref<5x!tpu.dma_semaphore, #tpu.memory_space<semaphore_mem>> -> memref<1x!tpu.dma_semaphore, #tpu.memory_space<semaphore_mem>>
    %dma_wait3A_112 = tpu.memref_squeeze %dma_wait3A_111 : memref<1x!tpu.dma_semaphore, #tpu.memory_space<semaphore_mem>> -> memref<!tpu.dma_semaphore, #tpu.memory_space<semaphore_mem>>
    tpu.wait_indirect_dma semaphore(%dma_wait3A_112 : memref<!tpu.dma_semaphore, #tpu.memory_space<semaphore_mem>>) src(%dma_wait3A_110 : memref<1944x128xf32, #tpu.memory_space<vmem_shared>>) dst(%dma_wait3A_104 : memref<128x128xf32, #tpu.memory_space<vmem>>)
    %add3A_113 = arith.constant 128 : i32
    %add3A_114 = arith.addi %mul3A_6, %add3A_113 : i32
    %dma_start3A_115 = arith.constant 1 : i32
    %dma_start3A_116 = arith.constant 1 : i32
    %dma_start3A_117 = arith.constant 0 : i32
    %dma_start3A_118 = arith.constant 0 : i32
    %dma_start3A_119 = tpu.memref_slice %arg6[%dma_start3A_115, %dma_start3A_117, %dma_start3A_118] : memref<5x128x128xf32, #tpu.memory_space<vmem>> -> memref<1x128x128xf32, #tpu.memory_space<vmem>>
    %dma_start3A_120 = tpu.memref_squeeze %dma_start3A_119 : memref<1x128x128xf32, #tpu.memory_space<vmem>> -> memref<128x128xf32, #tpu.memory_space<vmem>>
    %dma_start3A_121 = arith.constant 0 : i32
    %dma_start3A_122 = tpu.memref_slice %arg4[%add3A_114, %dma_start3A_121] : memref<819200x128xf32, #tpu.memory_space<hbm>> -> memref<128x128xf32, #tpu.memory_space<hbm>>
    %dma_start3A_123 = tpu.memref_slice %arg9[%dma_start3A_116] : memref<5x!tpu.dma_semaphore, #tpu.memory_space<semaphore_mem>> -> memref<1x!tpu.dma_semaphore, #tpu.memory_space<semaphore_mem>>
    %dma_start3A_124 = tpu.memref_squeeze %dma_start3A_123 : memref<1x!tpu.dma_semaphore, #tpu.memory_space<semaphore_mem>> -> memref<!tpu.dma_semaphore, #tpu.memory_space<semaphore_mem>>
    %dma_start3A_125 = arith.constant 0 : i32
    %dma_start3A_126 = tpu.memref_slice %arg4[%add3A_114, %dma_start3A_125] : memref<819200x128xf32, #tpu.memory_space<hbm>> -> memref<128x128xf32, #tpu.memory_space<hbm>>
    %dma_start3A_127 = arith.constant 0 : i32
    %dma_start3A_128 = arith.constant 0 : i32
    %dma_start3A_129 = tpu.memref_slice %arg6[%dma_start3A_115, %dma_start3A_127, %dma_start3A_128] : memref<5x128x128xf32, #tpu.memory_space<vmem>> -> memref<1x128x128xf32, #tpu.memory_space<vmem>>
    %dma_start3A_130 = tpu.memref_squeeze %dma_start3A_129 : memref<1x128x128xf32, #tpu.memory_space<vmem>> -> memref<128x128xf32, #tpu.memory_space<vmem>>
    tpu.enqueue_dma source(%dma_start3A_130 : memref<128x128xf32, #tpu.memory_space<vmem>>) target(%dma_start3A_126 : memref<128x128xf32, #tpu.memory_space<hbm>>) target_semaphore(%dma_start3A_124 : memref<!tpu.dma_semaphore, #tpu.memory_space<semaphore_mem>>)
    %dma_start3A_131 = arith.constant 4 : i32
    %dma_start3A_132 = arith.constant 4 : i32
    %dma_start3A_133 = arith.constant 4 : i32
    %dma_start3A_134 = arith.constant 0 : i32
    %dma_start3A_135 = arith.constant 0 : i32
    %dma_start3A_136 = tpu.memref_slice %arg6[%dma_start3A_132, %dma_start3A_134, %dma_start3A_135] : memref<5x128x128xf32, #tpu.memory_space<vmem>> -> memref<1x128x128xf32, #tpu.memory_space<vmem>>
    %dma_start3A_137 = tpu.memref_squeeze %dma_start3A_136 : memref<1x128x128xf32, #tpu.memory_space<vmem>> -> memref<128x128xf32, #tpu.memory_space<vmem>>
    %dma_start3A_138 = arith.constant 0 : i32
    %dma_start3A_139 = tpu.memref_slice %arg5[%dma_start3A_131, %dma_start3A_138] : memref<200x128xi32, #tpu.memory_space<vmem>> -> memref<1x128xi32, #tpu.memory_space<vmem>>
    %dma_start3A_140 = tpu.memref_squeeze %dma_start3A_139 : memref<1x128xi32, #tpu.memory_space<vmem>> -> memref<128xi32, #tpu.memory_space<vmem>>
    %dma_start3A_141 = arith.constant 0 : i32
    %dma_start3A_142 = arith.constant 0 : i32
    %dma_start3A_143 = tpu.memref_slice %arg7[%dma_start3A_141, %dma_start3A_142] : memref<1944x128xf32, #tpu.memory_space<vmem_shared>> -> memref<1944x128xf32, #tpu.memory_space<vmem_shared>>
    %dma_start3A_144 = tpu.memref_slice %arg8[%dma_start3A_133] : memref<5x!tpu.dma_semaphore, #tpu.memory_space<semaphore_mem>> -> memref<1x!tpu.dma_semaphore, #tpu.memory_space<semaphore_mem>>
    %dma_start3A_145 = tpu.memref_squeeze %dma_start3A_144 : memref<1x!tpu.dma_semaphore, #tpu.memory_space<semaphore_mem>> -> memref<!tpu.dma_semaphore, #tpu.memory_space<semaphore_mem>>
    tpu.enqueue_indirect_dma source(%dma_start3A_143 : memref<1944x128xf32, #tpu.memory_space<vmem_shared>>) target(%dma_start3A_137 : memref<128x128xf32, #tpu.memory_space<vmem>>) offsets(%dma_start3A_140 : memref<128xi32, #tpu.memory_space<vmem>>) semaphore(%dma_start3A_145 : memref<!tpu.dma_semaphore, #tpu.memory_space<semaphore_mem>>)
    %dma_wait3A_146 = arith.constant 2 : i32
    %dma_wait3A_147 = arith.constant 2 : i32
    %dma_wait3A_148 = arith.constant 2 : i32
    %dma_wait3A_149 = arith.constant 0 : i32
    %dma_wait3A_150 = arith.constant 0 : i32
    %dma_wait3A_151 = tpu.memref_slice %arg6[%dma_wait3A_147, %dma_wait3A_149, %dma_wait3A_150] : memref<5x128x128xf32, #tpu.memory_space<vmem>> -> memref<1x128x128xf32, #tpu.memory_space<vmem>>
    %dma_wait3A_152 = tpu.memref_squeeze %dma_wait3A_151 : memref<1x128x128xf32, #tpu.memory_space<vmem>> -> memref<128x128xf32, #tpu.memory_space<vmem>>
    %dma_wait3A_153 = arith.constant 0 : i32
    %dma_wait3A_154 = tpu.memref_slice %arg5[%dma_wait3A_146, %dma_wait3A_153] : memref<200x128xi32, #tpu.memory_space<vmem>> -> memref<1x128xi32, #tpu.memory_space<vmem>>
    %dma_wait3A_155 = tpu.memref_squeeze %dma_wait3A_154 : memref<1x128xi32, #tpu.memory_space<vmem>> -> memref<128xi32, #tpu.memory_space<vmem>>
    %dma_wait3A_156 = arith.constant 0 : i32
    %dma_wait3A_157 = arith.constant 0 : i32
    %dma_wait3A_158 = tpu.memref_slice %arg7[%dma_wait3A_156, %dma_wait3A_157] : memref<1944x128xf32, #tpu.memory_space<vmem_shared>> -> memref<1944x128xf32, #tpu.memory_space<vmem_shared>>
    %dma_wait3A_159 = tpu.memref_slice %arg8[%dma_wait3A_148] : memref<5x!tpu.dma_semaphore, #tpu.memory_space<semaphore_mem>> -> memref<1x!tpu.dma_semaphore, #tpu.memory_space<semaphore_mem>>
    %dma_wait3A_160 = tpu.memref_squeeze %dma_wait3A_159 : memref<1x!tpu.dma_semaphore, #tpu.memory_space<semaphore_mem>> -> memref<!tpu.dma_semaphore, #tpu.memory_space<semaphore_mem>>
    tpu.wait_indirect_dma semaphore(%dma_wait3A_160 : memref<!tpu.dma_semaphore, #tpu.memory_space<semaphore_mem>>) src(%dma_wait3A_158 : memref<1944x128xf32, #tpu.memory_space<vmem_shared>>) dst(%dma_wait3A_152 : memref<128x128xf32, #tpu.memory_space<vmem>>)
    %add3A_161 = arith.constant 256 : i32
    %add3A_162 = arith.addi %mul3A_6, %add3A_161 : i32
    %dma_start3A_163 = arith.constant 2 : i32
    %dma_start3A_164 = arith.constant 2 : i32
    %dma_start3A_165 = arith.constant 0 : i32
    %dma_start3A_166 = arith.constant 0 : i32
    %dma_start3A_167 = tpu.memref_slice %arg6[%dma_start3A_163, %dma_start3A_165, %dma_start3A_166] : memref<5x128x128xf32, #tpu.memory_space<vmem>> -> memref<1x128x128xf32, #tpu.memory_space<vmem>>
    %dma_start3A_168 = tpu.memref_squeeze %dma_start3A_167 : memref<1x128x128xf32, #tpu.memory_space<vmem>> -> memref<128x128xf32, #tpu.memory_space<vmem>>
    %dma_start3A_169 = arith.constant 0 : i32
    %dma_start3A_170 = tpu.memref_slice %arg4[%add3A_162, %dma_start3A_169] : memref<819200x128xf32, #tpu.memory_space<hbm>> -> memref<128x128xf32, #tpu.memory_space<hbm>>
    %dma_start3A_171 = tpu.memref_slice %arg9[%dma_start3A_164] : memref<5x!tpu.dma_semaphore, #tpu.memory_space<semaphore_mem>> -> memref<1x!tpu.dma_semaphore, #tpu.memory_space<semaphore_mem>>
    %dma_start3A_172 = tpu.memref_squeeze %dma_start3A_171 : memref<1x!tpu.dma_semaphore, #tpu.memory_space<semaphore_mem>> -> memref<!tpu.dma_semaphore, #tpu.memory_space<semaphore_mem>>
    %dma_start3A_173 = arith.constant 0 : i32
    %dma_start3A_174 = tpu.memref_slice %arg4[%add3A_162, %dma_start3A_173] : memref<819200x128xf32, #tpu.memory_space<hbm>> -> memref<128x128xf32, #tpu.memory_space<hbm>>
    %dma_start3A_175 = arith.constant 0 : i32
    %dma_start3A_176 = arith.constant 0 : i32
    %dma_start3A_177 = tpu.memref_slice %arg6[%dma_start3A_163, %dma_start3A_175, %dma_start3A_176] : memref<5x128x128xf32, #tpu.memory_space<vmem>> -> memref<1x128x128xf32, #tpu.memory_space<vmem>>
    %dma_start3A_178 = tpu.memref_squeeze %dma_start3A_177 : memref<1x128x128xf32, #tpu.memory_space<vmem>> -> memref<128x128xf32, #tpu.memory_space<vmem>>
    tpu.enqueue_dma source(%dma_start3A_178 : memref<128x128xf32, #tpu.memory_space<vmem>>) target(%dma_start3A_174 : memref<128x128xf32, #tpu.memory_space<hbm>>) target_semaphore(%dma_start3A_172 : memref<!tpu.dma_semaphore, #tpu.memory_space<semaphore_mem>>)
    %add3A_179 = arith.constant 0 : i32
    %add3A_180 = arith.addi %mul3A_6, %add3A_179 : i32
    %dma_wait3A_181 = arith.constant 0 : i32
    %dma_wait3A_182 = arith.constant 0 : i32
    %dma_wait3A_183 = arith.constant 0 : i32
    %dma_wait3A_184 = arith.constant 0 : i32
    %dma_wait3A_185 = tpu.memref_slice %arg6[%dma_wait3A_181, %dma_wait3A_183, %dma_wait3A_184] : memref<5x128x128xf32, #tpu.memory_space<vmem>> -> memref<1x128x128xf32, #tpu.memory_space<vmem>>
    %dma_wait3A_186 = tpu.memref_squeeze %dma_wait3A_185 : memref<1x128x128xf32, #tpu.memory_space<vmem>> -> memref<128x128xf32, #tpu.memory_space<vmem>>
    %dma_wait3A_187 = arith.constant 0 : i32
    %dma_wait3A_188 = tpu.memref_slice %arg4[%add3A_180, %dma_wait3A_187] : memref<819200x128xf32, #tpu.memory_space<hbm>> -> memref<128x128xf32, #tpu.memory_space<hbm>>
    %dma_wait3A_189 = tpu.memref_slice %arg9[%dma_wait3A_182] : memref<5x!tpu.dma_semaphore, #tpu.memory_space<semaphore_mem>> -> memref<1x!tpu.dma_semaphore, #tpu.memory_space<semaphore_mem>>
    %dma_wait3A_190 = tpu.memref_squeeze %dma_wait3A_189 : memref<1x!tpu.dma_semaphore, #tpu.memory_space<semaphore_mem>> -> memref<!tpu.dma_semaphore, #tpu.memory_space<semaphore_mem>>
    %dma_wait3A_191 = arith.constant 0 : i32
    %dma_wait3A_192 = tpu.memref_slice %arg4[%add3A_180, %dma_wait3A_191] : memref<819200x128xf32, #tpu.memory_space<hbm>> -> memref<128x128xf32, #tpu.memory_space<hbm>>
    %dma_wait3A_193 = arith.constant 0 : i32
    %dma_wait3A_194 = arith.constant 0 : i32
    %dma_wait3A_195 = tpu.memref_slice %arg6[%dma_wait3A_181, %dma_wait3A_193, %dma_wait3A_194] : memref<5x128x128xf32, #tpu.memory_space<vmem>> -> memref<1x128x128xf32, #tpu.memory_space<vmem>>
    %dma_wait3A_196 = tpu.memref_squeeze %dma_wait3A_195 : memref<1x128x128xf32, #tpu.memory_space<vmem>> -> memref<128x128xf32, #tpu.memory_space<vmem>>
    tpu.wait_dma2 semaphore(%dma_wait3A_190 : memref<!tpu.dma_semaphore, #tpu.memory_space<semaphore_mem>>) src(%dma_wait3A_196 : memref<128x128xf32, #tpu.memory_space<vmem>>) dst(%dma_wait3A_192 : memref<128x128xf32, #tpu.memory_space<hbm>>)
    %dma_start3A_197 = arith.constant 5 : i32
    %dma_start3A_198 = arith.constant 0 : i32
    %dma_start3A_199 = arith.constant 0 : i32
    %dma_start3A_200 = arith.constant 0 : i32
    %dma_start3A_201 = arith.constant 0 : i32
    %dma_start3A_202 = tpu.memref_slice %arg6[%dma_start3A_198, %dma_start3A_200, %dma_start3A_201] : memref<5x128x128xf32, #tpu.memory_space<vmem>> -> memref<1x128x128xf32, #tpu.memory_space<vmem>>
    %dma_start3A_203 = tpu.memref_squeeze %dma_start3A_202 : memref<1x128x128xf32, #tpu.memory_space<vmem>> -> memref<128x128xf32, #tpu.memory_space<vmem>>
    %dma_start3A_204 = arith.constant 0 : i32
    %dma_start3A_205 = tpu.memref_slice %arg5[%dma_start3A_197, %dma_start3A_204] : memref<200x128xi32, #tpu.memory_space<vmem>> -> memref<1x128xi32, #tpu.memory_space<vmem>>
    %dma_start3A_206 = tpu.memref_squeeze %dma_start3A_205 : memref<1x128xi32, #tpu.memory_space<vmem>> -> memref<128xi32, #tpu.memory_space<vmem>>
    %dma_start3A_207 = arith.constant 0 : i32
    %dma_start3A_208 = arith.constant 0 : i32
    %dma_start3A_209 = tpu.memref_slice %arg7[%dma_start3A_207, %dma_start3A_208] : memref<1944x128xf32, #tpu.memory_space<vmem_shared>> -> memref<1944x128xf32, #tpu.memory_space<vmem_shared>>
    %dma_start3A_210 = tpu.memref_slice %arg8[%dma_start3A_199] : memref<5x!tpu.dma_semaphore, #tpu.memory_space<semaphore_mem>> -> memref<1x!tpu.dma_semaphore, #tpu.memory_space<semaphore_mem>>
    %dma_start3A_211 = tpu.memref_squeeze %dma_start3A_210 : memref<1x!tpu.dma_semaphore, #tpu.memory_space<semaphore_mem>> -> memref<!tpu.dma_semaphore, #tpu.memory_space<semaphore_mem>>
    tpu.enqueue_indirect_dma source(%dma_start3A_209 : memref<1944x128xf32, #tpu.memory_space<vmem_shared>>) target(%dma_start3A_203 : memref<128x128xf32, #tpu.memory_space<vmem>>) offsets(%dma_start3A_206 : memref<128xi32, #tpu.memory_space<vmem>>) semaphore(%dma_start3A_211 : memref<!tpu.dma_semaphore, #tpu.memory_space<semaphore_mem>>)
    %dma_wait3A_212 = arith.constant 3 : i32
    %dma_wait3A_213 = arith.constant 3 : i32
    %dma_wait3A_214 = arith.constant 3 : i32
    %dma_wait3A_215 = arith.constant 0 : i32
    %dma_wait3A_216 = arith.constant 0 : i32
    %dma_wait3A_217 = tpu.memref_slice %arg6[%dma_wait3A_213, %dma_wait3A_215, %dma_wait3A_216] : memref<5x128x128xf32, #tpu.memory_space<vmem>> -> memref<1x128x128xf32, #tpu.memory_space<vmem>>
    %dma_wait3A_218 = tpu.memref_squeeze %dma_wait3A_217 : memref<1x128x128xf32, #tpu.memory_space<vmem>> -> memref<128x128xf32, #tpu.memory_space<vmem>>
    %dma_wait3A_219 = arith.constant 0 : i32
    %dma_wait3A_220 = tpu.memref_slice %arg5[%dma_wait3A_212, %dma_wait3A_219] : memref<200x128xi32, #tpu.memory_space<vmem>> -> memref<1x128xi32, #tpu.memory_space<vmem>>
    %dma_wait3A_221 = tpu.memref_squeeze %dma_wait3A_220 : memref<1x128xi32, #tpu.memory_space<vmem>> -> memref<128xi32, #tpu.memory_space<vmem>>
    %dma_wait3A_222 = arith.constant 0 : i32
    %dma_wait3A_223 = arith.constant 0 : i32
    %dma_wait3A_224 = tpu.memref_slice %arg7[%dma_wait3A_222, %dma_wait3A_223] : memref<1944x128xf32, #tpu.memory_space<vmem_shared>> -> memref<1944x128xf32, #tpu.memory_space<vmem_shared>>
    %dma_wait3A_225 = tpu.memref_slice %arg8[%dma_wait3A_214] : memref<5x!tpu.dma_semaphore, #tpu.memory_space<semaphore_mem>> -> memref<1x!tpu.dma_semaphore, #tpu.memory_space<semaphore_mem>>
    %dma_wait3A_226 = tpu.memref_squeeze %dma_wait3A_225 : memref<1x!tpu.dma_semaphore, #tpu.memory_space<semaphore_mem>> -> memref<!tpu.dma_semaphore, #tpu.memory_space<semaphore_mem>>
    tpu.wait_indirect_dma semaphore(%dma_wait3A_226 : memref<!tpu.dma_semaphore, #tpu.memory_space<semaphore_mem>>) src(%dma_wait3A_224 : memref<1944x128xf32, #tpu.memory_space<vmem_shared>>) dst(%dma_wait3A_218 : memref<128x128xf32, #tpu.memory_space<vmem>>)
    %add3A_227 = arith.constant 384 : i32
    %add3A_228 = arith.addi %mul3A_6, %add3A_227 : i32
    %dma_start3A_229 = arith.constant 3 : i32
    %dma_start3A_230 = arith.constant 3 : i32
    %dma_start3A_231 = arith.constant 0 : i32
    %dma_start3A_232 = arith.constant 0 : i32
    %dma_start3A_233 = tpu.memref_slice %arg6[%dma_start3A_229, %dma_start3A_231, %dma_start3A_232] : memref<5x128x128xf32, #tpu.memory_space<vmem>> -> memref<1x128x128xf32, #tpu.memory_space<vmem>>
    %dma_start3A_234 = tpu.memref_squeeze %dma_start3A_233 : memref<1x128x128xf32, #tpu.memory_space<vmem>> -> memref<128x128xf32, #tpu.memory_space<vmem>>
    %dma_start3A_235 = arith.constant 0 : i32
    %dma_start3A_236 = tpu.memref_slice %arg4[%add3A_228, %dma_start3A_235] : memref<819200x128xf32, #tpu.memory_space<hbm>> -> memref<128x128xf32, #tpu.memory_space<hbm>>
    %dma_start3A_237 = tpu.memref_slice %arg9[%dma_start3A_230] : memref<5x!tpu.dma_semaphore, #tpu.memory_space<semaphore_mem>> -> memref<1x!tpu.dma_semaphore, #tpu.memory_space<semaphore_mem>>
    %dma_start3A_238 = tpu.memref_squeeze %dma_start3A_237 : memref<1x!tpu.dma_semaphore, #tpu.memory_space<semaphore_mem>> -> memref<!tpu.dma_semaphore, #tpu.memory_space<semaphore_mem>>
    %dma_start3A_239 = arith.constant 0 : i32
    %dma_start3A_240 = tpu.memref_slice %arg4[%add3A_228, %dma_start3A_239] : memref<819200x128xf32, #tpu.memory_space<hbm>> -> memref<128x128xf32, #tpu.memory_space<hbm>>
    %dma_start3A_241 = arith.constant 0 : i32
    %dma_start3A_242 = arith.constant 0 : i32
    %dma_start3A_243 = tpu.memref_slice %arg6[%dma_start3A_229, %dma_start3A_241, %dma_start3A_242] : memref<5x128x128xf32, #tpu.memory_space<vmem>> -> memref<1x128x128xf32, #tpu.memory_space<vmem>>
    %dma_start3A_244 = tpu.memref_squeeze %dma_start3A_243 : memref<1x128x128xf32, #tpu.memory_space<vmem>> -> memref<128x128xf32, #tpu.memory_space<vmem>>
    tpu.enqueue_dma source(%dma_start3A_244 : memref<128x128xf32, #tpu.memory_space<vmem>>) target(%dma_start3A_240 : memref<128x128xf32, #tpu.memory_space<hbm>>) target_semaphore(%dma_start3A_238 : memref<!tpu.dma_semaphore, #tpu.memory_space<semaphore_mem>>)
    %add3A_245 = arith.constant 128 : i32
    %add3A_246 = arith.addi %mul3A_6, %add3A_245 : i32
    %dma_wait3A_247 = arith.constant 1 : i32
    %dma_wait3A_248 = arith.constant 1 : i32
    %dma_wait3A_249 = arith.constant 0 : i32
    %dma_wait3A_250 = arith.constant 0 : i32
    %dma_wait3A_251 = tpu.memref_slice %arg6[%dma_wait3A_247, %dma_wait3A_249, %dma_wait3A_250] : memref<5x128x128xf32, #tpu.memory_space<vmem>> -> memref<1x128x128xf32, #tpu.memory_space<vmem>>
    %dma_wait3A_252 = tpu.memref_squeeze %dma_wait3A_251 : memref<1x128x128xf32, #tpu.memory_space<vmem>> -> memref<128x128xf32, #tpu.memory_space<vmem>>
    %dma_wait3A_253 = arith.constant 0 : i32
    %dma_wait3A_254 = tpu.memref_slice %arg4[%add3A_246, %dma_wait3A_253] : memref<819200x128xf32, #tpu.memory_space<hbm>> -> memref<128x128xf32, #tpu.memory_space<hbm>>
    %dma_wait3A_255 = tpu.memref_slice %arg9[%dma_wait3A_248] : memref<5x!tpu.dma_semaphore, #tpu.memory_space<semaphore_mem>> -> memref<1x!tpu.dma_semaphore, #tpu.memory_space<semaphore_mem>>
    %dma_wait3A_256 = tpu.memref_squeeze %dma_wait3A_255 : memref<1x!tpu.dma_semaphore, #tpu.memory_space<semaphore_mem>> -> memref<!tpu.dma_semaphore, #tpu.memory_space<semaphore_mem>>
    %dma_wait3A_257 = arith.constant 0 : i32
    %dma_wait3A_258 = tpu.memref_slice %arg4[%add3A_246, %dma_wait3A_257] : memref<819200x128xf32, #tpu.memory_space<hbm>> -> memref<128x128xf32, #tpu.memory_space<hbm>>
    %dma_wait3A_259 = arith.constant 0 : i32
    %dma_wait3A_260 = arith.constant 0 : i32
    %dma_wait3A_261 = tpu.memref_slice %arg6[%dma_wait3A_247, %dma_wait3A_259, %dma_wait3A_260] : memref<5x128x128xf32, #tpu.memory_space<vmem>> -> memref<1x128x128xf32, #tpu.memory_space<vmem>>
    %dma_wait3A_262 = tpu.memref_squeeze %dma_wait3A_261 : memref<1x128x128xf32, #tpu.memory_space<vmem>> -> memref<128x128xf32, #tpu.memory_space<vmem>>
    tpu.wait_dma2 semaphore(%dma_wait3A_256 : memref<!tpu.dma_semaphore, #tpu.memory_space<semaphore_mem>>) src(%dma_wait3A_262 : memref<128x128xf32, #tpu.memory_space<vmem>>) dst(%dma_wait3A_258 : memref<128x128xf32, #tpu.memory_space<hbm>>)
    %dma_start3A_263 = arith.constant 6 : i32
    %dma_start3A_264 = arith.constant 1 : i32
    %dma_start3A_265 = arith.constant 1 : i32
    %dma_start3A_266 = arith.constant 0 : i32
    %dma_start3A_267 = arith.constant 0 : i32
    %dma_start3A_268 = tpu.memref_slice %arg6[%dma_start3A_264, %dma_start3A_266, %dma_start3A_267] : memref<5x128x128xf32, #tpu.memory_space<vmem>> -> memref<1x128x128xf32, #tpu.memory_space<vmem>>
    %dma_start3A_269 = tpu.memref_squeeze %dma_start3A_268 : memref<1x128x128xf32, #tpu.memory_space<vmem>> -> memref<128x128xf32, #tpu.memory_space<vmem>>
    %dma_start3A_270 = arith.constant 0 : i32
    %dma_start3A_271 = tpu.memref_slice %arg5[%dma_start3A_263, %dma_start3A_270] : memref<200x128xi32, #tpu.memory_space<vmem>> -> memref<1x128xi32, #tpu.memory_space<vmem>>
    %dma_start3A_272 = tpu.memref_squeeze %dma_start3A_271 : memref<1x128xi32, #tpu.memory_space<vmem>> -> memref<128xi32, #tpu.memory_space<vmem>>
    %dma_start3A_273 = arith.constant 0 : i32
    %dma_start3A_274 = arith.constant 0 : i32
    %dma_start3A_275 = tpu.memref_slice %arg7[%dma_start3A_273, %dma_start3A_274] : memref<1944x128xf32, #tpu.memory_space<vmem_shared>> -> memref<1944x128xf32, #tpu.memory_space<vmem_shared>>
    %dma_start3A_276 = tpu.memref_slice %arg8[%dma_start3A_265] : memref<5x!tpu.dma_semaphore, #tpu.memory_space<semaphore_mem>> -> memref<1x!tpu.dma_semaphore, #tpu.memory_space<semaphore_mem>>
    %dma_start3A_277 = tpu.memref_squeeze %dma_start3A_276 : memref<1x!tpu.dma_semaphore, #tpu.memory_space<semaphore_mem>> -> memref<!tpu.dma_semaphore, #tpu.memory_space<semaphore_mem>>
    tpu.enqueue_indirect_dma source(%dma_start3A_275 : memref<1944x128xf32, #tpu.memory_space<vmem_shared>>) target(%dma_start3A_269 : memref<128x128xf32, #tpu.memory_space<vmem>>) offsets(%dma_start3A_272 : memref<128xi32, #tpu.memory_space<vmem>>) semaphore(%dma_start3A_277 : memref<!tpu.dma_semaphore, #tpu.memory_space<semaphore_mem>>)
    %dma_wait3A_278 = arith.constant 4 : i32
    %dma_wait3A_279 = arith.constant 4 : i32
    %dma_wait3A_280 = arith.constant 4 : i32
    %dma_wait3A_281 = arith.constant 0 : i32
    %dma_wait3A_282 = arith.constant 0 : i32
    %dma_wait3A_283 = tpu.memref_slice %arg6[%dma_wait3A_279, %dma_wait3A_281, %dma_wait3A_282] : memref<5x128x128xf32, #tpu.memory_space<vmem>> -> memref<1x128x128xf32, #tpu.memory_space<vmem>>
    %dma_wait3A_284 = tpu.memref_squeeze %dma_wait3A_283 : memref<1x128x128xf32, #tpu.memory_space<vmem>> -> memref<128x128xf32, #tpu.memory_space<vmem>>
    %dma_wait3A_285 = arith.constant 0 : i32
    %dma_wait3A_286 = tpu.memref_slice %arg5[%dma_wait3A_278, %dma_wait3A_285] : memref<200x128xi32, #tpu.memory_space<vmem>> -> memref<1x128xi32, #tpu.memory_space<vmem>>
    %dma_wait3A_287 = tpu.memref_squeeze %dma_wait3A_286 : memref<1x128xi32, #tpu.memory_space<vmem>> -> memref<128xi32, #tpu.memory_space<vmem>>
    %dma_wait3A_288 = arith.constant 0 : i32
    %dma_wait3A_289 = arith.constant 0 : i32
    %dma_wait3A_290 = tpu.memref_slice %arg7[%dma_wait3A_288, %dma_wait3A_289] : memref<1944x128xf32, #tpu.memory_space<vmem_shared>> -> memref<1944x128xf32, #tpu.memory_space<vmem_shared>>
    %dma_wait3A_291 = tpu.memref_slice %arg8[%dma_wait3A_280] : memref<5x!tpu.dma_semaphore, #tpu.memory_space<semaphore_mem>> -> memref<1x!tpu.dma_semaphore, #tpu.memory_space<semaphore_mem>>
    %dma_wait3A_292 = tpu.memref_squeeze %dma_wait3A_291 : memref<1x!tpu.dma_semaphore, #tpu.memory_space<semaphore_mem>> -> memref<!tpu.dma_semaphore, #tpu.memory_space<semaphore_mem>>
    tpu.wait_indirect_dma semaphore(%dma_wait3A_292 : memref<!tpu.dma_semaphore, #tpu.memory_space<semaphore_mem>>) src(%dma_wait3A_290 : memref<1944x128xf32, #tpu.memory_space<vmem_shared>>) dst(%dma_wait3A_284 : memref<128x128xf32, #tpu.memory_space<vmem>>)
    %add3A_293 = arith.constant 512 : i32
    %add3A_294 = arith.addi %mul3A_6, %add3A_293 : i32
    %dma_start3A_295 = arith.constant 4 : i32
    %dma_start3A_296 = arith.constant 4 : i32
    %dma_start3A_297 = arith.constant 0 : i32
    %dma_start3A_298 = arith.constant 0 : i32
    %dma_start3A_299 = tpu.memref_slice %arg6[%dma_start3A_295, %dma_start3A_297, %dma_start3A_298] : memref<5x128x128xf32, #tpu.memory_space<vmem>> -> memref<1x128x128xf32, #tpu.memory_space<vmem>>
    %dma_start3A_300 = tpu.memref_squeeze %dma_start3A_299 : memref<1x128x128xf32, #tpu.memory_space<vmem>> -> memref<128x128xf32, #tpu.memory_space<vmem>>
    %dma_start3A_301 = arith.constant 0 : i32
    %dma_start3A_302 = tpu.memref_slice %arg4[%add3A_294, %dma_start3A_301] : memref<819200x128xf32, #tpu.memory_space<hbm>> -> memref<128x128xf32, #tpu.memory_space<hbm>>
    %dma_start3A_303 = tpu.memref_slice %arg9[%dma_start3A_296] : memref<5x!tpu.dma_semaphore, #tpu.memory_space<semaphore_mem>> -> memref<1x!tpu.dma_semaphore, #tpu.memory_space<semaphore_mem>>
    %dma_start3A_304 = tpu.memref_squeeze %dma_start3A_303 : memref<1x!tpu.dma_semaphore, #tpu.memory_space<semaphore_mem>> -> memref<!tpu.dma_semaphore, #tpu.memory_space<semaphore_mem>>
    %dma_start3A_305 = arith.constant 0 : i32
    %dma_start3A_306 = tpu.memref_slice %arg4[%add3A_294, %dma_start3A_305] : memref<819200x128xf32, #tpu.memory_space<hbm>> -> memref<128x128xf32, #tpu.memory_space<hbm>>
    %dma_start3A_307 = arith.constant 0 : i32
    %dma_start3A_308 = arith.constant 0 : i32
    %dma_start3A_309 = tpu.memref_slice %arg6[%dma_start3A_295, %dma_start3A_307, %dma_start3A_308] : memref<5x128x128xf32, #tpu.memory_space<vmem>> -> memref<1x128x128xf32, #tpu.memory_space<vmem>>
    %dma_start3A_310 = tpu.memref_squeeze %dma_start3A_309 : memref<1x128x128xf32, #tpu.memory_space<vmem>> -> memref<128x128xf32, #tpu.memory_space<vmem>>
    tpu.enqueue_dma source(%dma_start3A_310 : memref<128x128xf32, #tpu.memory_space<vmem>>) target(%dma_start3A_306 : memref<128x128xf32, #tpu.memory_space<hbm>>) target_semaphore(%dma_start3A_304 : memref<!tpu.dma_semaphore, #tpu.memory_space<semaphore_mem>>)
    %scan3A = arith.constant 0 : i32
    %scan3A_311 = arith.constant 1 : i32
    %scan3A_312 = arith.constant 38 : i32
    %scan3A_313 = arith.addi %scan3A_311, %scan3A_312 : i32
    %scan3A_314 = arith.constant 1 : i32
    %scan3A_315 = scf.for %scan3A_671 = %scan3A_311 to %scan3A_313 step %scan3A_314 iter_args(%scan3A_672 = %scan3A) -> (i32)  : i32 {
      %mul3A_673 = arith.constant 5 : i32
      %mul3A_674 = arith.muli %scan3A_671, %mul3A_673 : i32
      %add3A_675 = arith.constant 0 : i32
      %add3A_676 = arith.addi %mul3A_674, %add3A_675 : i32
      %sub3A = arith.constant 3 : i32
      %sub3A_677 = arith.subi %add3A_676, %sub3A : i32
      %mul3A_678 = arith.constant 128 : i32
      %mul3A_679 = arith.muli %sub3A_677, %mul3A_678 : i32
      %add3A_680 = arith.addi %mul3A_6, %mul3A_679 : i32
      %dma_wait3A_681 = arith.constant 2 : i32
      %dma_wait3A_682 = arith.constant 2 : i32
      %dma_wait3A_683 = arith.constant 0 : i32
      %dma_wait3A_684 = arith.constant 0 : i32
      %dma_wait3A_685 = tpu.memref_slice %arg6[%dma_wait3A_681, %dma_wait3A_683, %dma_wait3A_684] : memref<5x128x128xf32, #tpu.memory_space<vmem>> -> memref<1x128x128xf32, #tpu.memory_space<vmem>>
      %dma_wait3A_686 = tpu.memref_squeeze %dma_wait3A_685 : memref<1x128x128xf32, #tpu.memory_space<vmem>> -> memref<128x128xf32, #tpu.memory_space<vmem>>
      %dma_wait3A_687 = arith.constant 0 : i32
      %dma_wait3A_688 = tpu.memref_slice %arg4[%add3A_680, %dma_wait3A_687] : memref<819200x128xf32, #tpu.memory_space<hbm>> -> memref<128x128xf32, #tpu.memory_space<hbm>>
      %dma_wait3A_689 = tpu.memref_slice %arg9[%dma_wait3A_682] : memref<5x!tpu.dma_semaphore, #tpu.memory_space<semaphore_mem>> -> memref<1x!tpu.dma_semaphore, #tpu.memory_space<semaphore_mem>>
      %dma_wait3A_690 = tpu.memref_squeeze %dma_wait3A_689 : memref<1x!tpu.dma_semaphore, #tpu.memory_space<semaphore_mem>> -> memref<!tpu.dma_semaphore, #tpu.memory_space<semaphore_mem>>
      %dma_wait3A_691 = arith.constant 0 : i32
      %dma_wait3A_692 = tpu.memref_slice %arg4[%add3A_680, %dma_wait3A_691] : memref<819200x128xf32, #tpu.memory_space<hbm>> -> memref<128x128xf32, #tpu.memory_space<hbm>>
      %dma_wait3A_693 = arith.constant 0 : i32
      %dma_wait3A_694 = arith.constant 0 : i32
      %dma_wait3A_695 = tpu.memref_slice %arg6[%dma_wait3A_681, %dma_wait3A_693, %dma_wait3A_694] : memref<5x128x128xf32, #tpu.memory_space<vmem>> -> memref<1x128x128xf32, #tpu.memory_space<vmem>>
      %dma_wait3A_696 = tpu.memref_squeeze %dma_wait3A_695 : memref<1x128x128xf32, #tpu.memory_space<vmem>> -> memref<128x128xf32, #tpu.memory_space<vmem>>
      tpu.wait_dma2 semaphore(%dma_wait3A_690 : memref<!tpu.dma_semaphore, #tpu.memory_space<semaphore_mem>>) src(%dma_wait3A_696 : memref<128x128xf32, #tpu.memory_space<vmem>>) dst(%dma_wait3A_692 : memref<128x128xf32, #tpu.memory_space<hbm>>)
      %add3A_697 = arith.constant 2 : i32
      %add3A_698 = arith.addi %add3A_676, %add3A_697 : i32
      %dma_start3A_699 = arith.constant 2 : i32
      %dma_start3A_700 = arith.constant 2 : i32
      %dma_start3A_701 = arith.constant 0 : i32
      %dma_start3A_702 = arith.constant 0 : i32
      %dma_start3A_703 = tpu.memref_slice %arg6[%dma_start3A_699, %dma_start3A_701, %dma_start3A_702] : memref<5x128x128xf32, #tpu.memory_space<vmem>> -> memref<1x128x128xf32, #tpu.memory_space<vmem>>
      %dma_start3A_704 = tpu.memref_squeeze %dma_start3A_703 : memref<1x128x128xf32, #tpu.memory_space<vmem>> -> memref<128x128xf32, #tpu.memory_space<vmem>>
      %dma_start3A_705 = arith.constant 0 : i32
      %dma_start3A_706 = tpu.memref_slice %arg5[%add3A_698, %dma_start3A_705] : memref<200x128xi32, #tpu.memory_space<vmem>> -> memref<1x128xi32, #tpu.memory_space<vmem>>
      %dma_start3A_707 = tpu.memref_squeeze %dma_start3A_706 : memref<1x128xi32, #tpu.memory_space<vmem>> -> memref<128xi32, #tpu.memory_space<vmem>>
      %dma_start3A_708 = arith.constant 0 : i32
      %dma_start3A_709 = arith.constant 0 : i32
      %dma_start3A_710 = tpu.memref_slice %arg7[%dma_start3A_708, %dma_start3A_709] : memref<1944x128xf32, #tpu.memory_space<vmem_shared>> -> memref<1944x128xf32, #tpu.memory_space<vmem_shared>>
      %dma_start3A_711 = tpu.memref_slice %arg8[%dma_start3A_700] : memref<5x!tpu.dma_semaphore, #tpu.memory_space<semaphore_mem>> -> memref<1x!tpu.dma_semaphore, #tpu.memory_space<semaphore_mem>>
      %dma_start3A_712 = tpu.memref_squeeze %dma_start3A_711 : memref<1x!tpu.dma_semaphore, #tpu.memory_space<semaphore_mem>> -> memref<!tpu.dma_semaphore, #tpu.memory_space<semaphore_mem>>
      tpu.enqueue_indirect_dma source(%dma_start3A_710 : memref<1944x128xf32, #tpu.memory_space<vmem_shared>>) target(%dma_start3A_704 : memref<128x128xf32, #tpu.memory_space<vmem>>) offsets(%dma_start3A_707 : memref<128xi32, #tpu.memory_space<vmem>>) semaphore(%dma_start3A_712 : memref<!tpu.dma_semaphore, #tpu.memory_space<semaphore_mem>>)
      %dma_wait3A_713 = arith.constant 0 : i32
      %dma_wait3A_714 = arith.constant 0 : i32
      %dma_wait3A_715 = arith.constant 0 : i32
      %dma_wait3A_716 = arith.constant 0 : i32
      %dma_wait3A_717 = tpu.memref_slice %arg6[%dma_wait3A_713, %dma_wait3A_715, %dma_wait3A_716] : memref<5x128x128xf32, #tpu.memory_space<vmem>> -> memref<1x128x128xf32, #tpu.memory_space<vmem>>
      %dma_wait3A_718 = tpu.memref_squeeze %dma_wait3A_717 : memref<1x128x128xf32, #tpu.memory_space<vmem>> -> memref<128x128xf32, #tpu.memory_space<vmem>>
      %dma_wait3A_719 = arith.constant 0 : i32
      %dma_wait3A_720 = tpu.memref_slice %arg5[%add3A_676, %dma_wait3A_719] : memref<200x128xi32, #tpu.memory_space<vmem>> -> memref<1x128xi32, #tpu.memory_space<vmem>>
      %dma_wait3A_721 = tpu.memref_squeeze %dma_wait3A_720 : memref<1x128xi32, #tpu.memory_space<vmem>> -> memref<128xi32, #tpu.memory_space<vmem>>
      %dma_wait3A_722 = arith.constant 0 : i32
      %dma_wait3A_723 = arith.constant 0 : i32
      %dma_wait3A_724 = tpu.memref_slice %arg7[%dma_wait3A_722, %dma_wait3A_723] : memref<1944x128xf32, #tpu.memory_space<vmem_shared>> -> memref<1944x128xf32, #tpu.memory_space<vmem_shared>>
      %dma_wait3A_725 = tpu.memref_slice %arg8[%dma_wait3A_714] : memref<5x!tpu.dma_semaphore, #tpu.memory_space<semaphore_mem>> -> memref<1x!tpu.dma_semaphore, #tpu.memory_space<semaphore_mem>>
      %dma_wait3A_726 = tpu.memref_squeeze %dma_wait3A_725 : memref<1x!tpu.dma_semaphore, #tpu.memory_space<semaphore_mem>> -> memref<!tpu.dma_semaphore, #tpu.memory_space<semaphore_mem>>
      tpu.wait_indirect_dma semaphore(%dma_wait3A_726 : memref<!tpu.dma_semaphore, #tpu.memory_space<semaphore_mem>>) src(%dma_wait3A_724 : memref<1944x128xf32, #tpu.memory_space<vmem_shared>>) dst(%dma_wait3A_718 : memref<128x128xf32, #tpu.memory_space<vmem>>)
      %mul3A_727 = arith.constant 128 : i32
      %mul3A_728 = arith.muli %add3A_676, %mul3A_727 : i32
      %add3A_729 = arith.addi %mul3A_6, %mul3A_728 : i32
      %dma_start3A_730 = arith.constant 0 : i32
      %dma_start3A_731 = arith.constant 0 : i32
      %dma_start3A_732 = arith.constant 0 : i32
      %dma_start3A_733 = arith.constant 0 : i32
      %dma_start3A_734 = tpu.memref_slice %arg6[%dma_start3A_730, %dma_start3A_732, %dma_start3A_733] : memref<5x128x128xf32, #tpu.memory_space<vmem>> -> memref<1x128x128xf32, #tpu.memory_space<vmem>>
      %dma_start3A_735 = tpu.memref_squeeze %dma_start3A_734 : memref<1x128x128xf32, #tpu.memory_space<vmem>> -> memref<128x128xf32, #tpu.memory_space<vmem>>
      %dma_start3A_736 = arith.constant 0 : i32
      %dma_start3A_737 = tpu.memref_slice %arg4[%add3A_729, %dma_start3A_736] : memref<819200x128xf32, #tpu.memory_space<hbm>> -> memref<128x128xf32, #tpu.memory_space<hbm>>
      %dma_start3A_738 = tpu.memref_slice %arg9[%dma_start3A_731] : memref<5x!tpu.dma_semaphore, #tpu.memory_space<semaphore_mem>> -> memref<1x!tpu.dma_semaphore, #tpu.memory_space<semaphore_mem>>
      %dma_start3A_739 = tpu.memref_squeeze %dma_start3A_738 : memref<1x!tpu.dma_semaphore, #tpu.memory_space<semaphore_mem>> -> memref<!tpu.dma_semaphore, #tpu.memory_space<semaphore_mem>>
      %dma_start3A_740 = arith.constant 0 : i32
      %dma_start3A_741 = tpu.memref_slice %arg4[%add3A_729, %dma_start3A_740] : memref<819200x128xf32, #tpu.memory_space<hbm>> -> memref<128x128xf32, #tpu.memory_space<hbm>>
      %dma_start3A_742 = arith.constant 0 : i32
      %dma_start3A_743 = arith.constant 0 : i32
      %dma_start3A_744 = tpu.memref_slice %arg6[%dma_start3A_730, %dma_start3A_742, %dma_start3A_743] : memref<5x128x128xf32, #tpu.memory_space<vmem>> -> memref<1x128x128xf32, #tpu.memory_space<vmem>>
      %dma_start3A_745 = tpu.memref_squeeze %dma_start3A_744 : memref<1x128x128xf32, #tpu.memory_space<vmem>> -> memref<128x128xf32, #tpu.memory_space<vmem>>
      tpu.enqueue_dma source(%dma_start3A_745 : memref<128x128xf32, #tpu.memory_space<vmem>>) target(%dma_start3A_741 : memref<128x128xf32, #tpu.memory_space<hbm>>) target_semaphore(%dma_start3A_739 : memref<!tpu.dma_semaphore, #tpu.memory_space<semaphore_mem>>)
      %mul3A_746 = arith.constant 5 : i32
      %mul3A_747 = arith.muli %scan3A_671, %mul3A_746 : i32
      %add3A_748 = arith.constant 1 : i32
      %add3A_749 = arith.addi %mul3A_747, %add3A_748 : i32
      %sub3A_750 = arith.constant 3 : i32
      %sub3A_751 = arith.subi %add3A_749, %sub3A_750 : i32
      %mul3A_752 = arith.constant 128 : i32
      %mul3A_753 = arith.muli %sub3A_751, %mul3A_752 : i32
      %add3A_754 = arith.addi %mul3A_6, %mul3A_753 : i32
      %dma_wait3A_755 = arith.constant 3 : i32
      %dma_wait3A_756 = arith.constant 3 : i32
      %dma_wait3A_757 = arith.constant 0 : i32
      %dma_wait3A_758 = arith.constant 0 : i32
      %dma_wait3A_759 = tpu.memref_slice %arg6[%dma_wait3A_755, %dma_wait3A_757, %dma_wait3A_758] : memref<5x128x128xf32, #tpu.memory_space<vmem>> -> memref<1x128x128xf32, #tpu.memory_space<vmem>>
      %dma_wait3A_760 = tpu.memref_squeeze %dma_wait3A_759 : memref<1x128x128xf32, #tpu.memory_space<vmem>> -> memref<128x128xf32, #tpu.memory_space<vmem>>
      %dma_wait3A_761 = arith.constant 0 : i32
      %dma_wait3A_762 = tpu.memref_slice %arg4[%add3A_754, %dma_wait3A_761] : memref<819200x128xf32, #tpu.memory_space<hbm>> -> memref<128x128xf32, #tpu.memory_space<hbm>>
      %dma_wait3A_763 = tpu.memref_slice %arg9[%dma_wait3A_756] : memref<5x!tpu.dma_semaphore, #tpu.memory_space<semaphore_mem>> -> memref<1x!tpu.dma_semaphore, #tpu.memory_space<semaphore_mem>>
      %dma_wait3A_764 = tpu.memref_squeeze %dma_wait3A_763 : memref<1x!tpu.dma_semaphore, #tpu.memory_space<semaphore_mem>> -> memref<!tpu.dma_semaphore, #tpu.memory_space<semaphore_mem>>
      %dma_wait3A_765 = arith.constant 0 : i32
      %dma_wait3A_766 = tpu.memref_slice %arg4[%add3A_754, %dma_wait3A_765] : memref<819200x128xf32, #tpu.memory_space<hbm>> -> memref<128x128xf32, #tpu.memory_space<hbm>>
      %dma_wait3A_767 = arith.constant 0 : i32
      %dma_wait3A_768 = arith.constant 0 : i32
      %dma_wait3A_769 = tpu.memref_slice %arg6[%dma_wait3A_755, %dma_wait3A_767, %dma_wait3A_768] : memref<5x128x128xf32, #tpu.memory_space<vmem>> -> memref<1x128x128xf32, #tpu.memory_space<vmem>>
      %dma_wait3A_770 = tpu.memref_squeeze %dma_wait3A_769 : memref<1x128x128xf32, #tpu.memory_space<vmem>> -> memref<128x128xf32, #tpu.memory_space<vmem>>
      tpu.wait_dma2 semaphore(%dma_wait3A_764 : memref<!tpu.dma_semaphore, #tpu.memory_space<semaphore_mem>>) src(%dma_wait3A_770 : memref<128x128xf32, #tpu.memory_space<vmem>>) dst(%dma_wait3A_766 : memref<128x128xf32, #tpu.memory_space<hbm>>)
      %add3A_771 = arith.constant 2 : i32
      %add3A_772 = arith.addi %add3A_749, %add3A_771 : i32
      %dma_start3A_773 = arith.constant 3 : i32
      %dma_start3A_774 = arith.constant 3 : i32
      %dma_start3A_775 = arith.constant 0 : i32
      %dma_start3A_776 = arith.constant 0 : i32
      %dma_start3A_777 = tpu.memref_slice %arg6[%dma_start3A_773, %dma_start3A_775, %dma_start3A_776] : memref<5x128x128xf32, #tpu.memory_space<vmem>> -> memref<1x128x128xf32, #tpu.memory_space<vmem>>
      %dma_start3A_778 = tpu.memref_squeeze %dma_start3A_777 : memref<1x128x128xf32, #tpu.memory_space<vmem>> -> memref<128x128xf32, #tpu.memory_space<vmem>>
      %dma_start3A_779 = arith.constant 0 : i32
      %dma_start3A_780 = tpu.memref_slice %arg5[%add3A_772, %dma_start3A_779] : memref<200x128xi32, #tpu.memory_space<vmem>> -> memref<1x128xi32, #tpu.memory_space<vmem>>
      %dma_start3A_781 = tpu.memref_squeeze %dma_start3A_780 : memref<1x128xi32, #tpu.memory_space<vmem>> -> memref<128xi32, #tpu.memory_space<vmem>>
      %dma_start3A_782 = arith.constant 0 : i32
      %dma_start3A_783 = arith.constant 0 : i32
      %dma_start3A_784 = tpu.memref_slice %arg7[%dma_start3A_782, %dma_start3A_783] : memref<1944x128xf32, #tpu.memory_space<vmem_shared>> -> memref<1944x128xf32, #tpu.memory_space<vmem_shared>>
      %dma_start3A_785 = tpu.memref_slice %arg8[%dma_start3A_774] : memref<5x!tpu.dma_semaphore, #tpu.memory_space<semaphore_mem>> -> memref<1x!tpu.dma_semaphore, #tpu.memory_space<semaphore_mem>>
      %dma_start3A_786 = tpu.memref_squeeze %dma_start3A_785 : memref<1x!tpu.dma_semaphore, #tpu.memory_space<semaphore_mem>> -> memref<!tpu.dma_semaphore, #tpu.memory_space<semaphore_mem>>
      tpu.enqueue_indirect_dma source(%dma_start3A_784 : memref<1944x128xf32, #tpu.memory_space<vmem_shared>>) target(%dma_start3A_778 : memref<128x128xf32, #tpu.memory_space<vmem>>) offsets(%dma_start3A_781 : memref<128xi32, #tpu.memory_space<vmem>>) semaphore(%dma_start3A_786 : memref<!tpu.dma_semaphore, #tpu.memory_space<semaphore_mem>>)
      %dma_wait3A_787 = arith.constant 1 : i32
      %dma_wait3A_788 = arith.constant 1 : i32
      %dma_wait3A_789 = arith.constant 0 : i32
      %dma_wait3A_790 = arith.constant 0 : i32
      %dma_wait3A_791 = tpu.memref_slice %arg6[%dma_wait3A_787, %dma_wait3A_789, %dma_wait3A_790] : memref<5x128x128xf32, #tpu.memory_space<vmem>> -> memref<1x128x128xf32, #tpu.memory_space<vmem>>
      %dma_wait3A_792 = tpu.memref_squeeze %dma_wait3A_791 : memref<1x128x128xf32, #tpu.memory_space<vmem>> -> memref<128x128xf32, #tpu.memory_space<vmem>>
      %dma_wait3A_793 = arith.constant 0 : i32
      %dma_wait3A_794 = tpu.memref_slice %arg5[%add3A_749, %dma_wait3A_793] : memref<200x128xi32, #tpu.memory_space<vmem>> -> memref<1x128xi32, #tpu.memory_space<vmem>>
      %dma_wait3A_795 = tpu.memref_squeeze %dma_wait3A_794 : memref<1x128xi32, #tpu.memory_space<vmem>> -> memref<128xi32, #tpu.memory_space<vmem>>
      %dma_wait3A_796 = arith.constant 0 : i32
      %dma_wait3A_797 = arith.constant 0 : i32
      %dma_wait3A_798 = tpu.memref_slice %arg7[%dma_wait3A_796, %dma_wait3A_797] : memref<1944x128xf32, #tpu.memory_space<vmem_shared>> -> memref<1944x128xf32, #tpu.memory_space<vmem_shared>>
      %dma_wait3A_799 = tpu.memref_slice %arg8[%dma_wait3A_788] : memref<5x!tpu.dma_semaphore, #tpu.memory_space<semaphore_mem>> -> memref<1x!tpu.dma_semaphore, #tpu.memory_space<semaphore_mem>>
      %dma_wait3A_800 = tpu.memref_squeeze %dma_wait3A_799 : memref<1x!tpu.dma_semaphore, #tpu.memory_space<semaphore_mem>> -> memref<!tpu.dma_semaphore, #tpu.memory_space<semaphore_mem>>
      tpu.wait_indirect_dma semaphore(%dma_wait3A_800 : memref<!tpu.dma_semaphore, #tpu.memory_space<semaphore_mem>>) src(%dma_wait3A_798 : memref<1944x128xf32, #tpu.memory_space<vmem_shared>>) dst(%dma_wait3A_792 : memref<128x128xf32, #tpu.memory_space<vmem>>)
      %mul3A_801 = arith.constant 128 : i32
      %mul3A_802 = arith.muli %add3A_749, %mul3A_801 : i32
      %add3A_803 = arith.addi %mul3A_6, %mul3A_802 : i32
      %dma_start3A_804 = arith.constant 1 : i32
      %dma_start3A_805 = arith.constant 1 : i32
      %dma_start3A_806 = arith.constant 0 : i32
      %dma_start3A_807 = arith.constant 0 : i32
      %dma_start3A_808 = tpu.memref_slice %arg6[%dma_start3A_804, %dma_start3A_806, %dma_start3A_807] : memref<5x128x128xf32, #tpu.memory_space<vmem>> -> memref<1x128x128xf32, #tpu.memory_space<vmem>>
      %dma_start3A_809 = tpu.memref_squeeze %dma_start3A_808 : memref<1x128x128xf32, #tpu.memory_space<vmem>> -> memref<128x128xf32, #tpu.memory_space<vmem>>
      %dma_start3A_810 = arith.constant 0 : i32
      %dma_start3A_811 = tpu.memref_slice %arg4[%add3A_803, %dma_start3A_810] : memref<819200x128xf32, #tpu.memory_space<hbm>> -> memref<128x128xf32, #tpu.memory_space<hbm>>
      %dma_start3A_812 = tpu.memref_slice %arg9[%dma_start3A_805] : memref<5x!tpu.dma_semaphore, #tpu.memory_space<semaphore_mem>> -> memref<1x!tpu.dma_semaphore, #tpu.memory_space<semaphore_mem>>
      %dma_start3A_813 = tpu.memref_squeeze %dma_start3A_812 : memref<1x!tpu.dma_semaphore, #tpu.memory_space<semaphore_mem>> -> memref<!tpu.dma_semaphore, #tpu.memory_space<semaphore_mem>>
      %dma_start3A_814 = arith.constant 0 : i32
      %dma_start3A_815 = tpu.memref_slice %arg4[%add3A_803, %dma_start3A_814] : memref<819200x128xf32, #tpu.memory_space<hbm>> -> memref<128x128xf32, #tpu.memory_space<hbm>>
      %dma_start3A_816 = arith.constant 0 : i32
      %dma_start3A_817 = arith.constant 0 : i32
      %dma_start3A_818 = tpu.memref_slice %arg6[%dma_start3A_804, %dma_start3A_816, %dma_start3A_817] : memref<5x128x128xf32, #tpu.memory_space<vmem>> -> memref<1x128x128xf32, #tpu.memory_space<vmem>>
      %dma_start3A_819 = tpu.memref_squeeze %dma_start3A_818 : memref<1x128x128xf32, #tpu.memory_space<vmem>> -> memref<128x128xf32, #tpu.memory_space<vmem>>
      tpu.enqueue_dma source(%dma_start3A_819 : memref<128x128xf32, #tpu.memory_space<vmem>>) target(%dma_start3A_815 : memref<128x128xf32, #tpu.memory_space<hbm>>) target_semaphore(%dma_start3A_813 : memref<!tpu.dma_semaphore, #tpu.memory_space<semaphore_mem>>)
      %mul3A_820 = arith.constant 5 : i32
      %mul3A_821 = arith.muli %scan3A_671, %mul3A_820 : i32
      %add3A_822 = arith.constant 2 : i32
      %add3A_823 = arith.addi %mul3A_821, %add3A_822 : i32
      %sub3A_824 = arith.constant 3 : i32
      %sub3A_825 = arith.subi %add3A_823, %sub3A_824 : i32
      %mul3A_826 = arith.constant 128 : i32
      %mul3A_827 = arith.muli %sub3A_825, %mul3A_826 : i32
      %add3A_828 = arith.addi %mul3A_6, %mul3A_827 : i32
      %dma_wait3A_829 = arith.constant 4 : i32
      %dma_wait3A_830 = arith.constant 4 : i32
      %dma_wait3A_831 = arith.constant 0 : i32
      %dma_wait3A_832 = arith.constant 0 : i32
      %dma_wait3A_833 = tpu.memref_slice %arg6[%dma_wait3A_829, %dma_wait3A_831, %dma_wait3A_832] : memref<5x128x128xf32, #tpu.memory_space<vmem>> -> memref<1x128x128xf32, #tpu.memory_space<vmem>>
      %dma_wait3A_834 = tpu.memref_squeeze %dma_wait3A_833 : memref<1x128x128xf32, #tpu.memory_space<vmem>> -> memref<128x128xf32, #tpu.memory_space<vmem>>
      %dma_wait3A_835 = arith.constant 0 : i32
      %dma_wait3A_836 = tpu.memref_slice %arg4[%add3A_828, %dma_wait3A_835] : memref<819200x128xf32, #tpu.memory_space<hbm>> -> memref<128x128xf32, #tpu.memory_space<hbm>>
      %dma_wait3A_837 = tpu.memref_slice %arg9[%dma_wait3A_830] : memref<5x!tpu.dma_semaphore, #tpu.memory_space<semaphore_mem>> -> memref<1x!tpu.dma_semaphore, #tpu.memory_space<semaphore_mem>>
      %dma_wait3A_838 = tpu.memref_squeeze %dma_wait3A_837 : memref<1x!tpu.dma_semaphore, #tpu.memory_space<semaphore_mem>> -> memref<!tpu.dma_semaphore, #tpu.memory_space<semaphore_mem>>
      %dma_wait3A_839 = arith.constant 0 : i32
      %dma_wait3A_840 = tpu.memref_slice %arg4[%add3A_828, %dma_wait3A_839] : memref<819200x128xf32, #tpu.memory_space<hbm>> -> memref<128x128xf32, #tpu.memory_space<hbm>>
      %dma_wait3A_841 = arith.constant 0 : i32
      %dma_wait3A_842 = arith.constant 0 : i32
      %dma_wait3A_843 = tpu.memref_slice %arg6[%dma_wait3A_829, %dma_wait3A_841, %dma_wait3A_842] : memref<5x128x128xf32, #tpu.memory_space<vmem>> -> memref<1x128x128xf32, #tpu.memory_space<vmem>>
      %dma_wait3A_844 = tpu.memref_squeeze %dma_wait3A_843 : memref<1x128x128xf32, #tpu.memory_space<vmem>> -> memref<128x128xf32, #tpu.memory_space<vmem>>
      tpu.wait_dma2 semaphore(%dma_wait3A_838 : memref<!tpu.dma_semaphore, #tpu.memory_space<semaphore_mem>>) src(%dma_wait3A_844 : memref<128x128xf32, #tpu.memory_space<vmem>>) dst(%dma_wait3A_840 : memref<128x128xf32, #tpu.memory_space<hbm>>)
      %add3A_845 = arith.constant 2 : i32
      %add3A_846 = arith.addi %add3A_823, %add3A_845 : i32
      %dma_start3A_847 = arith.constant 4 : i32
      %dma_start3A_848 = arith.constant 4 : i32
      %dma_start3A_849 = arith.constant 0 : i32
      %dma_start3A_850 = arith.constant 0 : i32
      %dma_start3A_851 = tpu.memref_slice %arg6[%dma_start3A_847, %dma_start3A_849, %dma_start3A_850] : memref<5x128x128xf32, #tpu.memory_space<vmem>> -> memref<1x128x128xf32, #tpu.memory_space<vmem>>
      %dma_start3A_852 = tpu.memref_squeeze %dma_start3A_851 : memref<1x128x128xf32, #tpu.memory_space<vmem>> -> memref<128x128xf32, #tpu.memory_space<vmem>>
      %dma_start3A_853 = arith.constant 0 : i32
      %dma_start3A_854 = tpu.memref_slice %arg5[%add3A_846, %dma_start3A_853] : memref<200x128xi32, #tpu.memory_space<vmem>> -> memref<1x128xi32, #tpu.memory_space<vmem>>
      %dma_start3A_855 = tpu.memref_squeeze %dma_start3A_854 : memref<1x128xi32, #tpu.memory_space<vmem>> -> memref<128xi32, #tpu.memory_space<vmem>>
      %dma_start3A_856 = arith.constant 0 : i32
      %dma_start3A_857 = arith.constant 0 : i32
      %dma_start3A_858 = tpu.memref_slice %arg7[%dma_start3A_856, %dma_start3A_857] : memref<1944x128xf32, #tpu.memory_space<vmem_shared>> -> memref<1944x128xf32, #tpu.memory_space<vmem_shared>>
      %dma_start3A_859 = tpu.memref_slice %arg8[%dma_start3A_848] : memref<5x!tpu.dma_semaphore, #tpu.memory_space<semaphore_mem>> -> memref<1x!tpu.dma_semaphore, #tpu.memory_space<semaphore_mem>>
      %dma_start3A_860 = tpu.memref_squeeze %dma_start3A_859 : memref<1x!tpu.dma_semaphore, #tpu.memory_space<semaphore_mem>> -> memref<!tpu.dma_semaphore, #tpu.memory_space<semaphore_mem>>
      tpu.enqueue_indirect_dma source(%dma_start3A_858 : memref<1944x128xf32, #tpu.memory_space<vmem_shared>>) target(%dma_start3A_852 : memref<128x128xf32, #tpu.memory_space<vmem>>) offsets(%dma_start3A_855 : memref<128xi32, #tpu.memory_space<vmem>>) semaphore(%dma_start3A_860 : memref<!tpu.dma_semaphore, #tpu.memory_space<semaphore_mem>>)
      %dma_wait3A_861 = arith.constant 2 : i32
      %dma_wait3A_862 = arith.constant 2 : i32
      %dma_wait3A_863 = arith.constant 0 : i32
      %dma_wait3A_864 = arith.constant 0 : i32
      %dma_wait3A_865 = tpu.memref_slice %arg6[%dma_wait3A_861, %dma_wait3A_863, %dma_wait3A_864] : memref<5x128x128xf32, #tpu.memory_space<vmem>> -> memref<1x128x128xf32, #tpu.memory_space<vmem>>
      %dma_wait3A_866 = tpu.memref_squeeze %dma_wait3A_865 : memref<1x128x128xf32, #tpu.memory_space<vmem>> -> memref<128x128xf32, #tpu.memory_space<vmem>>
      %dma_wait3A_867 = arith.constant 0 : i32
      %dma_wait3A_868 = tpu.memref_slice %arg5[%add3A_823, %dma_wait3A_867] : memref<200x128xi32, #tpu.memory_space<vmem>> -> memref<1x128xi32, #tpu.memory_space<vmem>>
      %dma_wait3A_869 = tpu.memref_squeeze %dma_wait3A_868 : memref<1x128xi32, #tpu.memory_space<vmem>> -> memref<128xi32, #tpu.memory_space<vmem>>
      %dma_wait3A_870 = arith.constant 0 : i32
      %dma_wait3A_871 = arith.constant 0 : i32
      %dma_wait3A_872 = tpu.memref_slice %arg7[%dma_wait3A_870, %dma_wait3A_871] : memref<1944x128xf32, #tpu.memory_space<vmem_shared>> -> memref<1944x128xf32, #tpu.memory_space<vmem_shared>>
      %dma_wait3A_873 = tpu.memref_slice %arg8[%dma_wait3A_862] : memref<5x!tpu.dma_semaphore, #tpu.memory_space<semaphore_mem>> -> memref<1x!tpu.dma_semaphore, #tpu.memory_space<semaphore_mem>>
      %dma_wait3A_874 = tpu.memref_squeeze %dma_wait3A_873 : memref<1x!tpu.dma_semaphore, #tpu.memory_space<semaphore_mem>> -> memref<!tpu.dma_semaphore, #tpu.memory_space<semaphore_mem>>
      tpu.wait_indirect_dma semaphore(%dma_wait3A_874 : memref<!tpu.dma_semaphore, #tpu.memory_space<semaphore_mem>>) src(%dma_wait3A_872 : memref<1944x128xf32, #tpu.memory_space<vmem_shared>>) dst(%dma_wait3A_866 : memref<128x128xf32, #tpu.memory_space<vmem>>)
      %mul3A_875 = arith.constant 128 : i32
      %mul3A_876 = arith.muli %add3A_823, %mul3A_875 : i32
      %add3A_877 = arith.addi %mul3A_6, %mul3A_876 : i32
      %dma_start3A_878 = arith.constant 2 : i32
      %dma_start3A_879 = arith.constant 2 : i32
      %dma_start3A_880 = arith.constant 0 : i32
      %dma_start3A_881 = arith.constant 0 : i32
      %dma_start3A_882 = tpu.memref_slice %arg6[%dma_start3A_878, %dma_start3A_880, %dma_start3A_881] : memref<5x128x128xf32, #tpu.memory_space<vmem>> -> memref<1x128x128xf32, #tpu.memory_space<vmem>>
      %dma_start3A_883 = tpu.memref_squeeze %dma_start3A_882 : memref<1x128x128xf32, #tpu.memory_space<vmem>> -> memref<128x128xf32, #tpu.memory_space<vmem>>
      %dma_start3A_884 = arith.constant 0 : i32
      %dma_start3A_885 = tpu.memref_slice %arg4[%add3A_877, %dma_start3A_884] : memref<819200x128xf32, #tpu.memory_space<hbm>> -> memref<128x128xf32, #tpu.memory_space<hbm>>
      %dma_start3A_886 = tpu.memref_slice %arg9[%dma_start3A_879] : memref<5x!tpu.dma_semaphore, #tpu.memory_space<semaphore_mem>> -> memref<1x!tpu.dma_semaphore, #tpu.memory_space<semaphore_mem>>
      %dma_start3A_887 = tpu.memref_squeeze %dma_start3A_886 : memref<1x!tpu.dma_semaphore, #tpu.memory_space<semaphore_mem>> -> memref<!tpu.dma_semaphore, #tpu.memory_space<semaphore_mem>>
      %dma_start3A_888 = arith.constant 0 : i32
      %dma_start3A_889 = tpu.memref_slice %arg4[%add3A_877, %dma_start3A_888] : memref<819200x128xf32, #tpu.memory_space<hbm>> -> memref<128x128xf32, #tpu.memory_space<hbm>>
      %dma_start3A_890 = arith.constant 0 : i32
      %dma_start3A_891 = arith.constant 0 : i32
      %dma_start3A_892 = tpu.memref_slice %arg6[%dma_start3A_878, %dma_start3A_890, %dma_start3A_891] : memref<5x128x128xf32, #tpu.memory_space<vmem>> -> memref<1x128x128xf32, #tpu.memory_space<vmem>>
      %dma_start3A_893 = tpu.memref_squeeze %dma_start3A_892 : memref<1x128x128xf32, #tpu.memory_space<vmem>> -> memref<128x128xf32, #tpu.memory_space<vmem>>
      tpu.enqueue_dma source(%dma_start3A_893 : memref<128x128xf32, #tpu.memory_space<vmem>>) target(%dma_start3A_889 : memref<128x128xf32, #tpu.memory_space<hbm>>) target_semaphore(%dma_start3A_887 : memref<!tpu.dma_semaphore, #tpu.memory_space<semaphore_mem>>)
      %mul3A_894 = arith.constant 5 : i32
      %mul3A_895 = arith.muli %scan3A_671, %mul3A_894 : i32
      %add3A_896 = arith.constant 3 : i32
      %add3A_897 = arith.addi %mul3A_895, %add3A_896 : i32
      %sub3A_898 = arith.constant 3 : i32
      %sub3A_899 = arith.subi %add3A_897, %sub3A_898 : i32
      %mul3A_900 = arith.constant 128 : i32
      %mul3A_901 = arith.muli %sub3A_899, %mul3A_900 : i32
      %add3A_902 = arith.addi %mul3A_6, %mul3A_901 : i32
      %dma_wait3A_903 = arith.constant 0 : i32
      %dma_wait3A_904 = arith.constant 0 : i32
      %dma_wait3A_905 = arith.constant 0 : i32
      %dma_wait3A_906 = arith.constant 0 : i32
      %dma_wait3A_907 = tpu.memref_slice %arg6[%dma_wait3A_903, %dma_wait3A_905, %dma_wait3A_906] : memref<5x128x128xf32, #tpu.memory_space<vmem>> -> memref<1x128x128xf32, #tpu.memory_space<vmem>>
      %dma_wait3A_908 = tpu.memref_squeeze %dma_wait3A_907 : memref<1x128x128xf32, #tpu.memory_space<vmem>> -> memref<128x128xf32, #tpu.memory_space<vmem>>
      %dma_wait3A_909 = arith.constant 0 : i32
      %dma_wait3A_910 = tpu.memref_slice %arg4[%add3A_902, %dma_wait3A_909] : memref<819200x128xf32, #tpu.memory_space<hbm>> -> memref<128x128xf32, #tpu.memory_space<hbm>>
      %dma_wait3A_911 = tpu.memref_slice %arg9[%dma_wait3A_904] : memref<5x!tpu.dma_semaphore, #tpu.memory_space<semaphore_mem>> -> memref<1x!tpu.dma_semaphore, #tpu.memory_space<semaphore_mem>>
      %dma_wait3A_912 = tpu.memref_squeeze %dma_wait3A_911 : memref<1x!tpu.dma_semaphore, #tpu.memory_space<semaphore_mem>> -> memref<!tpu.dma_semaphore, #tpu.memory_space<semaphore_mem>>
      %dma_wait3A_913 = arith.constant 0 : i32
      %dma_wait3A_914 = tpu.memref_slice %arg4[%add3A_902, %dma_wait3A_913] : memref<819200x128xf32, #tpu.memory_space<hbm>> -> memref<128x128xf32, #tpu.memory_space<hbm>>
      %dma_wait3A_915 = arith.constant 0 : i32
      %dma_wait3A_916 = arith.constant 0 : i32
      %dma_wait3A_917 = tpu.memref_slice %arg6[%dma_wait3A_903, %dma_wait3A_915, %dma_wait3A_916] : memref<5x128x128xf32, #tpu.memory_space<vmem>> -> memref<1x128x128xf32, #tpu.memory_space<vmem>>
      %dma_wait3A_918 = tpu.memref_squeeze %dma_wait3A_917 : memref<1x128x128xf32, #tpu.memory_space<vmem>> -> memref<128x128xf32, #tpu.memory_space<vmem>>
      tpu.wait_dma2 semaphore(%dma_wait3A_912 : memref<!tpu.dma_semaphore, #tpu.memory_space<semaphore_mem>>) src(%dma_wait3A_918 : memref<128x128xf32, #tpu.memory_space<vmem>>) dst(%dma_wait3A_914 : memref<128x128xf32, #tpu.memory_space<hbm>>)
      %add3A_919 = arith.constant 2 : i32
      %add3A_920 = arith.addi %add3A_897, %add3A_919 : i32
      %dma_start3A_921 = arith.constant 0 : i32
      %dma_start3A_922 = arith.constant 0 : i32
      %dma_start3A_923 = arith.constant 0 : i32
      %dma_start3A_924 = arith.constant 0 : i32
      %dma_start3A_925 = tpu.memref_slice %arg6[%dma_start3A_921, %dma_start3A_923, %dma_start3A_924] : memref<5x128x128xf32, #tpu.memory_space<vmem>> -> memref<1x128x128xf32, #tpu.memory_space<vmem>>
      %dma_start3A_926 = tpu.memref_squeeze %dma_start3A_925 : memref<1x128x128xf32, #tpu.memory_space<vmem>> -> memref<128x128xf32, #tpu.memory_space<vmem>>
      %dma_start3A_927 = arith.constant 0 : i32
      %dma_start3A_928 = tpu.memref_slice %arg5[%add3A_920, %dma_start3A_927] : memref<200x128xi32, #tpu.memory_space<vmem>> -> memref<1x128xi32, #tpu.memory_space<vmem>>
      %dma_start3A_929 = tpu.memref_squeeze %dma_start3A_928 : memref<1x128xi32, #tpu.memory_space<vmem>> -> memref<128xi32, #tpu.memory_space<vmem>>
      %dma_start3A_930 = arith.constant 0 : i32
      %dma_start3A_931 = arith.constant 0 : i32
      %dma_start3A_932 = tpu.memref_slice %arg7[%dma_start3A_930, %dma_start3A_931] : memref<1944x128xf32, #tpu.memory_space<vmem_shared>> -> memref<1944x128xf32, #tpu.memory_space<vmem_shared>>
      %dma_start3A_933 = tpu.memref_slice %arg8[%dma_start3A_922] : memref<5x!tpu.dma_semaphore, #tpu.memory_space<semaphore_mem>> -> memref<1x!tpu.dma_semaphore, #tpu.memory_space<semaphore_mem>>
      %dma_start3A_934 = tpu.memref_squeeze %dma_start3A_933 : memref<1x!tpu.dma_semaphore, #tpu.memory_space<semaphore_mem>> -> memref<!tpu.dma_semaphore, #tpu.memory_space<semaphore_mem>>
      tpu.enqueue_indirect_dma source(%dma_start3A_932 : memref<1944x128xf32, #tpu.memory_space<vmem_shared>>) target(%dma_start3A_926 : memref<128x128xf32, #tpu.memory_space<vmem>>) offsets(%dma_start3A_929 : memref<128xi32, #tpu.memory_space<vmem>>) semaphore(%dma_start3A_934 : memref<!tpu.dma_semaphore, #tpu.memory_space<semaphore_mem>>)
      %dma_wait3A_935 = arith.constant 3 : i32
      %dma_wait3A_936 = arith.constant 3 : i32
      %dma_wait3A_937 = arith.constant 0 : i32
      %dma_wait3A_938 = arith.constant 0 : i32
      %dma_wait3A_939 = tpu.memref_slice %arg6[%dma_wait3A_935, %dma_wait3A_937, %dma_wait3A_938] : memref<5x128x128xf32, #tpu.memory_space<vmem>> -> memref<1x128x128xf32, #tpu.memory_space<vmem>>
      %dma_wait3A_940 = tpu.memref_squeeze %dma_wait3A_939 : memref<1x128x128xf32, #tpu.memory_space<vmem>> -> memref<128x128xf32, #tpu.memory_space<vmem>>
      %dma_wait3A_941 = arith.constant 0 : i32
      %dma_wait3A_942 = tpu.memref_slice %arg5[%add3A_897, %dma_wait3A_941] : memref<200x128xi32, #tpu.memory_space<vmem>> -> memref<1x128xi32, #tpu.memory_space<vmem>>
      %dma_wait3A_943 = tpu.memref_squeeze %dma_wait3A_942 : memref<1x128xi32, #tpu.memory_space<vmem>> -> memref<128xi32, #tpu.memory_space<vmem>>
      %dma_wait3A_944 = arith.constant 0 : i32
      %dma_wait3A_945 = arith.constant 0 : i32
      %dma_wait3A_946 = tpu.memref_slice %arg7[%dma_wait3A_944, %dma_wait3A_945] : memref<1944x128xf32, #tpu.memory_space<vmem_shared>> -> memref<1944x128xf32, #tpu.memory_space<vmem_shared>>
      %dma_wait3A_947 = tpu.memref_slice %arg8[%dma_wait3A_936] : memref<5x!tpu.dma_semaphore, #tpu.memory_space<semaphore_mem>> -> memref<1x!tpu.dma_semaphore, #tpu.memory_space<semaphore_mem>>
      %dma_wait3A_948 = tpu.memref_squeeze %dma_wait3A_947 : memref<1x!tpu.dma_semaphore, #tpu.memory_space<semaphore_mem>> -> memref<!tpu.dma_semaphore, #tpu.memory_space<semaphore_mem>>
      tpu.wait_indirect_dma semaphore(%dma_wait3A_948 : memref<!tpu.dma_semaphore, #tpu.memory_space<semaphore_mem>>) src(%dma_wait3A_946 : memref<1944x128xf32, #tpu.memory_space<vmem_shared>>) dst(%dma_wait3A_940 : memref<128x128xf32, #tpu.memory_space<vmem>>)
      %mul3A_949 = arith.constant 128 : i32
      %mul3A_950 = arith.muli %add3A_897, %mul3A_949 : i32
      %add3A_951 = arith.addi %mul3A_6, %mul3A_950 : i32
      %dma_start3A_952 = arith.constant 3 : i32
      %dma_start3A_953 = arith.constant 3 : i32
      %dma_start3A_954 = arith.constant 0 : i32
      %dma_start3A_955 = arith.constant 0 : i32
      %dma_start3A_956 = tpu.memref_slice %arg6[%dma_start3A_952, %dma_start3A_954, %dma_start3A_955] : memref<5x128x128xf32, #tpu.memory_space<vmem>> -> memref<1x128x128xf32, #tpu.memory_space<vmem>>
      %dma_start3A_957 = tpu.memref_squeeze %dma_start3A_956 : memref<1x128x128xf32, #tpu.memory_space<vmem>> -> memref<128x128xf32, #tpu.memory_space<vmem>>
      %dma_start3A_958 = arith.constant 0 : i32
      %dma_start3A_959 = tpu.memref_slice %arg4[%add3A_951, %dma_start3A_958] : memref<819200x128xf32, #tpu.memory_space<hbm>> -> memref<128x128xf32, #tpu.memory_space<hbm>>
      %dma_start3A_960 = tpu.memref_slice %arg9[%dma_start3A_953] : memref<5x!tpu.dma_semaphore, #tpu.memory_space<semaphore_mem>> -> memref<1x!tpu.dma_semaphore, #tpu.memory_space<semaphore_mem>>
      %dma_start3A_961 = tpu.memref_squeeze %dma_start3A_960 : memref<1x!tpu.dma_semaphore, #tpu.memory_space<semaphore_mem>> -> memref<!tpu.dma_semaphore, #tpu.memory_space<semaphore_mem>>
      %dma_start3A_962 = arith.constant 0 : i32
      %dma_start3A_963 = tpu.memref_slice %arg4[%add3A_951, %dma_start3A_962] : memref<819200x128xf32, #tpu.memory_space<hbm>> -> memref<128x128xf32, #tpu.memory_space<hbm>>
      %dma_start3A_964 = arith.constant 0 : i32
      %dma_start3A_965 = arith.constant 0 : i32
      %dma_start3A_966 = tpu.memref_slice %arg6[%dma_start3A_952, %dma_start3A_964, %dma_start3A_965] : memref<5x128x128xf32, #tpu.memory_space<vmem>> -> memref<1x128x128xf32, #tpu.memory_space<vmem>>
      %dma_start3A_967 = tpu.memref_squeeze %dma_start3A_966 : memref<1x128x128xf32, #tpu.memory_space<vmem>> -> memref<128x128xf32, #tpu.memory_space<vmem>>
      tpu.enqueue_dma source(%dma_start3A_967 : memref<128x128xf32, #tpu.memory_space<vmem>>) target(%dma_start3A_963 : memref<128x128xf32, #tpu.memory_space<hbm>>) target_semaphore(%dma_start3A_961 : memref<!tpu.dma_semaphore, #tpu.memory_space<semaphore_mem>>)
      %mul3A_968 = arith.constant 5 : i32
      %mul3A_969 = arith.muli %scan3A_671, %mul3A_968 : i32
      %add3A_970 = arith.constant 4 : i32
      %add3A_971 = arith.addi %mul3A_969, %add3A_970 : i32
      %sub3A_972 = arith.constant 3 : i32
      %sub3A_973 = arith.subi %add3A_971, %sub3A_972 : i32
      %mul3A_974 = arith.constant 128 : i32
      %mul3A_975 = arith.muli %sub3A_973, %mul3A_974 : i32
      %add3A_976 = arith.addi %mul3A_6, %mul3A_975 : i32
      %dma_wait3A_977 = arith.constant 1 : i32
      %dma_wait3A_978 = arith.constant 1 : i32
      %dma_wait3A_979 = arith.constant 0 : i32
      %dma_wait3A_980 = arith.constant 0 : i32
      %dma_wait3A_981 = tpu.memref_slice %arg6[%dma_wait3A_977, %dma_wait3A_979, %dma_wait3A_980] : memref<5x128x128xf32, #tpu.memory_space<vmem>> -> memref<1x128x128xf32, #tpu.memory_space<vmem>>
      %dma_wait3A_982 = tpu.memref_squeeze %dma_wait3A_981 : memref<1x128x128xf32, #tpu.memory_space<vmem>> -> memref<128x128xf32, #tpu.memory_space<vmem>>
      %dma_wait3A_983 = arith.constant 0 : i32
      %dma_wait3A_984 = tpu.memref_slice %arg4[%add3A_976, %dma_wait3A_983] : memref<819200x128xf32, #tpu.memory_space<hbm>> -> memref<128x128xf32, #tpu.memory_space<hbm>>
      %dma_wait3A_985 = tpu.memref_slice %arg9[%dma_wait3A_978] : memref<5x!tpu.dma_semaphore, #tpu.memory_space<semaphore_mem>> -> memref<1x!tpu.dma_semaphore, #tpu.memory_space<semaphore_mem>>
      %dma_wait3A_986 = tpu.memref_squeeze %dma_wait3A_985 : memref<1x!tpu.dma_semaphore, #tpu.memory_space<semaphore_mem>> -> memref<!tpu.dma_semaphore, #tpu.memory_space<semaphore_mem>>
      %dma_wait3A_987 = arith.constant 0 : i32
      %dma_wait3A_988 = tpu.memref_slice %arg4[%add3A_976, %dma_wait3A_987] : memref<819200x128xf32, #tpu.memory_space<hbm>> -> memref<128x128xf32, #tpu.memory_space<hbm>>
      %dma_wait3A_989 = arith.constant 0 : i32
      %dma_wait3A_990 = arith.constant 0 : i32
      %dma_wait3A_991 = tpu.memref_slice %arg6[%dma_wait3A_977, %dma_wait3A_989, %dma_wait3A_990] : memref<5x128x128xf32, #tpu.memory_space<vmem>> -> memref<1x128x128xf32, #tpu.memory_space<vmem>>
      %dma_wait3A_992 = tpu.memref_squeeze %dma_wait3A_991 : memref<1x128x128xf32, #tpu.memory_space<vmem>> -> memref<128x128xf32, #tpu.memory_space<vmem>>
      tpu.wait_dma2 semaphore(%dma_wait3A_986 : memref<!tpu.dma_semaphore, #tpu.memory_space<semaphore_mem>>) src(%dma_wait3A_992 : memref<128x128xf32, #tpu.memory_space<vmem>>) dst(%dma_wait3A_988 : memref<128x128xf32, #tpu.memory_space<hbm>>)
      %add3A_993 = arith.constant 2 : i32
      %add3A_994 = arith.addi %add3A_971, %add3A_993 : i32
      %dma_start3A_995 = arith.constant 1 : i32
      %dma_start3A_996 = arith.constant 1 : i32
      %dma_start3A_997 = arith.constant 0 : i32
      %dma_start3A_998 = arith.constant 0 : i32
      %dma_start3A_999 = tpu.memref_slice %arg6[%dma_start3A_995, %dma_start3A_997, %dma_start3A_998] : memref<5x128x128xf32, #tpu.memory_space<vmem>> -> memref<1x128x128xf32, #tpu.memory_space<vmem>>
      %dma_start3A_1000 = tpu.memref_squeeze %dma_start3A_999 : memref<1x128x128xf32, #tpu.memory_space<vmem>> -> memref<128x128xf32, #tpu.memory_space<vmem>>
      %dma_start3A_1001 = arith.constant 0 : i32
      %dma_start3A_1002 = tpu.memref_slice %arg5[%add3A_994, %dma_start3A_1001] : memref<200x128xi32, #tpu.memory_space<vmem>> -> memref<1x128xi32, #tpu.memory_space<vmem>>
      %dma_start3A_1003 = tpu.memref_squeeze %dma_start3A_1002 : memref<1x128xi32, #tpu.memory_space<vmem>> -> memref<128xi32, #tpu.memory_space<vmem>>
      %dma_start3A_1004 = arith.constant 0 : i32
      %dma_start3A_1005 = arith.constant 0 : i32
      %dma_start3A_1006 = tpu.memref_slice %arg7[%dma_start3A_1004, %dma_start3A_1005] : memref<1944x128xf32, #tpu.memory_space<vmem_shared>> -> memref<1944x128xf32, #tpu.memory_space<vmem_shared>>
      %dma_start3A_1007 = tpu.memref_slice %arg8[%dma_start3A_996] : memref<5x!tpu.dma_semaphore, #tpu.memory_space<semaphore_mem>> -> memref<1x!tpu.dma_semaphore, #tpu.memory_space<semaphore_mem>>
      %dma_start3A_1008 = tpu.memref_squeeze %dma_start3A_1007 : memref<1x!tpu.dma_semaphore, #tpu.memory_space<semaphore_mem>> -> memref<!tpu.dma_semaphore, #tpu.memory_space<semaphore_mem>>
      tpu.enqueue_indirect_dma source(%dma_start3A_1006 : memref<1944x128xf32, #tpu.memory_space<vmem_shared>>) target(%dma_start3A_1000 : memref<128x128xf32, #tpu.memory_space<vmem>>) offsets(%dma_start3A_1003 : memref<128xi32, #tpu.memory_space<vmem>>) semaphore(%dma_start3A_1008 : memref<!tpu.dma_semaphore, #tpu.memory_space<semaphore_mem>>)
      %dma_wait3A_1009 = arith.constant 4 : i32
      %dma_wait3A_1010 = arith.constant 4 : i32
      %dma_wait3A_1011 = arith.constant 0 : i32
      %dma_wait3A_1012 = arith.constant 0 : i32
      %dma_wait3A_1013 = tpu.memref_slice %arg6[%dma_wait3A_1009, %dma_wait3A_1011, %dma_wait3A_1012] : memref<5x128x128xf32, #tpu.memory_space<vmem>> -> memref<1x128x128xf32, #tpu.memory_space<vmem>>
      %dma_wait3A_1014 = tpu.memref_squeeze %dma_wait3A_1013 : memref<1x128x128xf32, #tpu.memory_space<vmem>> -> memref<128x128xf32, #tpu.memory_space<vmem>>
      %dma_wait3A_1015 = arith.constant 0 : i32
      %dma_wait3A_1016 = tpu.memref_slice %arg5[%add3A_971, %dma_wait3A_1015] : memref<200x128xi32, #tpu.memory_space<vmem>> -> memref<1x128xi32, #tpu.memory_space<vmem>>
      %dma_wait3A_1017 = tpu.memref_squeeze %dma_wait3A_1016 : memref<1x128xi32, #tpu.memory_space<vmem>> -> memref<128xi32, #tpu.memory_space<vmem>>
      %dma_wait3A_1018 = arith.constant 0 : i32
      %dma_wait3A_1019 = arith.constant 0 : i32
      %dma_wait3A_1020 = tpu.memref_slice %arg7[%dma_wait3A_1018, %dma_wait3A_1019] : memref<1944x128xf32, #tpu.memory_space<vmem_shared>> -> memref<1944x128xf32, #tpu.memory_space<vmem_shared>>
      %dma_wait3A_1021 = tpu.memref_slice %arg8[%dma_wait3A_1010] : memref<5x!tpu.dma_semaphore, #tpu.memory_space<semaphore_mem>> -> memref<1x!tpu.dma_semaphore, #tpu.memory_space<semaphore_mem>>
      %dma_wait3A_1022 = tpu.memref_squeeze %dma_wait3A_1021 : memref<1x!tpu.dma_semaphore, #tpu.memory_space<semaphore_mem>> -> memref<!tpu.dma_semaphore, #tpu.memory_space<semaphore_mem>>
      tpu.wait_indirect_dma semaphore(%dma_wait3A_1022 : memref<!tpu.dma_semaphore, #tpu.memory_space<semaphore_mem>>) src(%dma_wait3A_1020 : memref<1944x128xf32, #tpu.memory_space<vmem_shared>>) dst(%dma_wait3A_1014 : memref<128x128xf32, #tpu.memory_space<vmem>>)
      %mul3A_1023 = arith.constant 128 : i32
      %mul3A_1024 = arith.muli %add3A_971, %mul3A_1023 : i32
      %add3A_1025 = arith.addi %mul3A_6, %mul3A_1024 : i32
      %dma_start3A_1026 = arith.constant 4 : i32
      %dma_start3A_1027 = arith.constant 4 : i32
      %dma_start3A_1028 = arith.constant 0 : i32
      %dma_start3A_1029 = arith.constant 0 : i32
      %dma_start3A_1030 = tpu.memref_slice %arg6[%dma_start3A_1026, %dma_start3A_1028, %dma_start3A_1029] : memref<5x128x128xf32, #tpu.memory_space<vmem>> -> memref<1x128x128xf32, #tpu.memory_space<vmem>>
      %dma_start3A_1031 = tpu.memref_squeeze %dma_start3A_1030 : memref<1x128x128xf32, #tpu.memory_space<vmem>> -> memref<128x128xf32, #tpu.memory_space<vmem>>
      %dma_start3A_1032 = arith.constant 0 : i32
      %dma_start3A_1033 = tpu.memref_slice %arg4[%add3A_1025, %dma_start3A_1032] : memref<819200x128xf32, #tpu.memory_space<hbm>> -> memref<128x128xf32, #tpu.memory_space<hbm>>
      %dma_start3A_1034 = tpu.memref_slice %arg9[%dma_start3A_1027] : memref<5x!tpu.dma_semaphore, #tpu.memory_space<semaphore_mem>> -> memref<1x!tpu.dma_semaphore, #tpu.memory_space<semaphore_mem>>
      %dma_start3A_1035 = tpu.memref_squeeze %dma_start3A_1034 : memref<1x!tpu.dma_semaphore, #tpu.memory_space<semaphore_mem>> -> memref<!tpu.dma_semaphore, #tpu.memory_space<semaphore_mem>>
      %dma_start3A_1036 = arith.constant 0 : i32
      %dma_start3A_1037 = tpu.memref_slice %arg4[%add3A_1025, %dma_start3A_1036] : memref<819200x128xf32, #tpu.memory_space<hbm>> -> memref<128x128xf32, #tpu.memory_space<hbm>>
      %dma_start3A_1038 = arith.constant 0 : i32
      %dma_start3A_1039 = arith.constant 0 : i32
      %dma_start3A_1040 = tpu.memref_slice %arg6[%dma_start3A_1026, %dma_start3A_1038, %dma_start3A_1039] : memref<5x128x128xf32, #tpu.memory_space<vmem>> -> memref<1x128x128xf32, #tpu.memory_space<vmem>>
      %dma_start3A_1041 = tpu.memref_squeeze %dma_start3A_1040 : memref<1x128x128xf32, #tpu.memory_space<vmem>> -> memref<128x128xf32, #tpu.memory_space<vmem>>
      tpu.enqueue_dma source(%dma_start3A_1041 : memref<128x128xf32, #tpu.memory_space<vmem>>) target(%dma_start3A_1037 : memref<128x128xf32, #tpu.memory_space<hbm>>) target_semaphore(%dma_start3A_1035 : memref<!tpu.dma_semaphore, #tpu.memory_space<semaphore_mem>>)
      %scan3A_1042 = arith.constant 0 : i32
      scf.yield %scan3A_1042 : i32
    }
    %scan3A_316 = arith.constant 38 : i32
    %add3A_317 = arith.constant 24576 : i32
    %add3A_318 = arith.addi %mul3A_6, %add3A_317 : i32
    %dma_wait3A_319 = arith.constant 2 : i32
    %dma_wait3A_320 = arith.constant 2 : i32
    %dma_wait3A_321 = arith.constant 0 : i32
    %dma_wait3A_322 = arith.constant 0 : i32
    %dma_wait3A_323 = tpu.memref_slice %arg6[%dma_wait3A_319, %dma_wait3A_321, %dma_wait3A_322] : memref<5x128x128xf32, #tpu.memory_space<vmem>> -> memref<1x128x128xf32, #tpu.memory_space<vmem>>
    %dma_wait3A_324 = tpu.memref_squeeze %dma_wait3A_323 : memref<1x128x128xf32, #tpu.memory_space<vmem>> -> memref<128x128xf32, #tpu.memory_space<vmem>>
    %dma_wait3A_325 = arith.constant 0 : i32
    %dma_wait3A_326 = tpu.memref_slice %arg4[%add3A_318, %dma_wait3A_325] : memref<819200x128xf32, #tpu.memory_space<hbm>> -> memref<128x128xf32, #tpu.memory_space<hbm>>
    %dma_wait3A_327 = tpu.memref_slice %arg9[%dma_wait3A_320] : memref<5x!tpu.dma_semaphore, #tpu.memory_space<semaphore_mem>> -> memref<1x!tpu.dma_semaphore, #tpu.memory_space<semaphore_mem>>
    %dma_wait3A_328 = tpu.memref_squeeze %dma_wait3A_327 : memref<1x!tpu.dma_semaphore, #tpu.memory_space<semaphore_mem>> -> memref<!tpu.dma_semaphore, #tpu.memory_space<semaphore_mem>>
    %dma_wait3A_329 = arith.constant 0 : i32
    %dma_wait3A_330 = tpu.memref_slice %arg4[%add3A_318, %dma_wait3A_329] : memref<819200x128xf32, #tpu.memory_space<hbm>> -> memref<128x128xf32, #tpu.memory_space<hbm>>
    %dma_wait3A_331 = arith.constant 0 : i32
    %dma_wait3A_332 = arith.constant 0 : i32
    %dma_wait3A_333 = tpu.memref_slice %arg6[%dma_wait3A_319, %dma_wait3A_331, %dma_wait3A_332] : memref<5x128x128xf32, #tpu.memory_space<vmem>> -> memref<1x128x128xf32, #tpu.memory_space<vmem>>
    %dma_wait3A_334 = tpu.memref_squeeze %dma_wait3A_333 : memref<1x128x128xf32, #tpu.memory_space<vmem>> -> memref<128x128xf32, #tpu.memory_space<vmem>>
    tpu.wait_dma2 semaphore(%dma_wait3A_328 : memref<!tpu.dma_semaphore, #tpu.memory_space<semaphore_mem>>) src(%dma_wait3A_334 : memref<128x128xf32, #tpu.memory_space<vmem>>) dst(%dma_wait3A_330 : memref<128x128xf32, #tpu.memory_space<hbm>>)
    %dma_start3A_335 = arith.constant 197 : i32
    %dma_start3A_336 = arith.constant 2 : i32
    %dma_start3A_337 = arith.constant 2 : i32
    %dma_start3A_338 = arith.constant 0 : i32
    %dma_start3A_339 = arith.constant 0 : i32
    %dma_start3A_340 = tpu.memref_slice %arg6[%dma_start3A_336, %dma_start3A_338, %dma_start3A_339] : memref<5x128x128xf32, #tpu.memory_space<vmem>> -> memref<1x128x128xf32, #tpu.memory_space<vmem>>
    %dma_start3A_341 = tpu.memref_squeeze %dma_start3A_340 : memref<1x128x128xf32, #tpu.memory_space<vmem>> -> memref<128x128xf32, #tpu.memory_space<vmem>>
    %dma_start3A_342 = arith.constant 0 : i32
    %dma_start3A_343 = tpu.memref_slice %arg5[%dma_start3A_335, %dma_start3A_342] : memref<200x128xi32, #tpu.memory_space<vmem>> -> memref<1x128xi32, #tpu.memory_space<vmem>>
    %dma_start3A_344 = tpu.memref_squeeze %dma_start3A_343 : memref<1x128xi32, #tpu.memory_space<vmem>> -> memref<128xi32, #tpu.memory_space<vmem>>
    %dma_start3A_345 = arith.constant 0 : i32
    %dma_start3A_346 = arith.constant 0 : i32
    %dma_start3A_347 = tpu.memref_slice %arg7[%dma_start3A_345, %dma_start3A_346] : memref<1944x128xf32, #tpu.memory_space<vmem_shared>> -> memref<1944x128xf32, #tpu.memory_space<vmem_shared>>
    %dma_start3A_348 = tpu.memref_slice %arg8[%dma_start3A_337] : memref<5x!tpu.dma_semaphore, #tpu.memory_space<semaphore_mem>> -> memref<1x!tpu.dma_semaphore, #tpu.memory_space<semaphore_mem>>
    %dma_start3A_349 = tpu.memref_squeeze %dma_start3A_348 : memref<1x!tpu.dma_semaphore, #tpu.memory_space<semaphore_mem>> -> memref<!tpu.dma_semaphore, #tpu.memory_space<semaphore_mem>>
    tpu.enqueue_indirect_dma source(%dma_start3A_347 : memref<1944x128xf32, #tpu.memory_space<vmem_shared>>) target(%dma_start3A_341 : memref<128x128xf32, #tpu.memory_space<vmem>>) offsets(%dma_start3A_344 : memref<128xi32, #tpu.memory_space<vmem>>) semaphore(%dma_start3A_349 : memref<!tpu.dma_semaphore, #tpu.memory_space<semaphore_mem>>)
    %dma_wait3A_350 = arith.constant 195 : i32
    %dma_wait3A_351 = arith.constant 0 : i32
    %dma_wait3A_352 = arith.constant 0 : i32
    %dma_wait3A_353 = arith.constant 0 : i32
    %dma_wait3A_354 = arith.constant 0 : i32
    %dma_wait3A_355 = tpu.memref_slice %arg6[%dma_wait3A_351, %dma_wait3A_353, %dma_wait3A_354] : memref<5x128x128xf32, #tpu.memory_space<vmem>> -> memref<1x128x128xf32, #tpu.memory_space<vmem>>
    %dma_wait3A_356 = tpu.memref_squeeze %dma_wait3A_355 : memref<1x128x128xf32, #tpu.memory_space<vmem>> -> memref<128x128xf32, #tpu.memory_space<vmem>>
    %dma_wait3A_357 = arith.constant 0 : i32
    %dma_wait3A_358 = tpu.memref_slice %arg5[%dma_wait3A_350, %dma_wait3A_357] : memref<200x128xi32, #tpu.memory_space<vmem>> -> memref<1x128xi32, #tpu.memory_space<vmem>>
    %dma_wait3A_359 = tpu.memref_squeeze %dma_wait3A_358 : memref<1x128xi32, #tpu.memory_space<vmem>> -> memref<128xi32, #tpu.memory_space<vmem>>
    %dma_wait3A_360 = arith.constant 0 : i32
    %dma_wait3A_361 = arith.constant 0 : i32
    %dma_wait3A_362 = tpu.memref_slice %arg7[%dma_wait3A_360, %dma_wait3A_361] : memref<1944x128xf32, #tpu.memory_space<vmem_shared>> -> memref<1944x128xf32, #tpu.memory_space<vmem_shared>>
    %dma_wait3A_363 = tpu.memref_slice %arg8[%dma_wait3A_352] : memref<5x!tpu.dma_semaphore, #tpu.memory_space<semaphore_mem>> -> memref<1x!tpu.dma_semaphore, #tpu.memory_space<semaphore_mem>>
    %dma_wait3A_364 = tpu.memref_squeeze %dma_wait3A_363 : memref<1x!tpu.dma_semaphore, #tpu.memory_space<semaphore_mem>> -> memref<!tpu.dma_semaphore, #tpu.memory_space<semaphore_mem>>
    tpu.wait_indirect_dma semaphore(%dma_wait3A_364 : memref<!tpu.dma_semaphore, #tpu.memory_space<semaphore_mem>>) src(%dma_wait3A_362 : memref<1944x128xf32, #tpu.memory_space<vmem_shared>>) dst(%dma_wait3A_356 : memref<128x128xf32, #tpu.memory_space<vmem>>)
    %add3A_365 = arith.constant 24960 : i32
    %add3A_366 = arith.addi %mul3A_6, %add3A_365 : i32
    %dma_start3A_367 = arith.constant 0 : i32
    %dma_start3A_368 = arith.constant 0 : i32
    %dma_start3A_369 = arith.constant 0 : i32
    %dma_start3A_370 = arith.constant 0 : i32
    %dma_start3A_371 = tpu.memref_slice %arg6[%dma_start3A_367, %dma_start3A_369, %dma_start3A_370] : memref<5x128x128xf32, #tpu.memory_space<vmem>> -> memref<1x128x128xf32, #tpu.memory_space<vmem>>
    %dma_start3A_372 = tpu.memref_squeeze %dma_start3A_371 : memref<1x128x128xf32, #tpu.memory_space<vmem>> -> memref<128x128xf32, #tpu.memory_space<vmem>>
    %dma_start3A_373 = arith.constant 0 : i32
    %dma_start3A_374 = tpu.memref_slice %arg4[%add3A_366, %dma_start3A_373] : memref<819200x128xf32, #tpu.memory_space<hbm>> -> memref<128x128xf32, #tpu.memory_space<hbm>>
    %dma_start3A_375 = tpu.memref_slice %arg9[%dma_start3A_368] : memref<5x!tpu.dma_semaphore, #tpu.memory_space<semaphore_mem>> -> memref<1x!tpu.dma_semaphore, #tpu.memory_space<semaphore_mem>>
    %dma_start3A_376 = tpu.memref_squeeze %dma_start3A_375 : memref<1x!tpu.dma_semaphore, #tpu.memory_space<semaphore_mem>> -> memref<!tpu.dma_semaphore, #tpu.memory_space<semaphore_mem>>
    %dma_start3A_377 = arith.constant 0 : i32
    %dma_start3A_378 = tpu.memref_slice %arg4[%add3A_366, %dma_start3A_377] : memref<819200x128xf32, #tpu.memory_space<hbm>> -> memref<128x128xf32, #tpu.memory_space<hbm>>
    %dma_start3A_379 = arith.constant 0 : i32
    %dma_start3A_380 = arith.constant 0 : i32
    %dma_start3A_381 = tpu.memref_slice %arg6[%dma_start3A_367, %dma_start3A_379, %dma_start3A_380] : memref<5x128x128xf32, #tpu.memory_space<vmem>> -> memref<1x128x128xf32, #tpu.memory_space<vmem>>
    %dma_start3A_382 = tpu.memref_squeeze %dma_start3A_381 : memref<1x128x128xf32, #tpu.memory_space<vmem>> -> memref<128x128xf32, #tpu.memory_space<vmem>>
    tpu.enqueue_dma source(%dma_start3A_382 : memref<128x128xf32, #tpu.memory_space<vmem>>) target(%dma_start3A_378 : memref<128x128xf32, #tpu.memory_space<hbm>>) target_semaphore(%dma_start3A_376 : memref<!tpu.dma_semaphore, #tpu.memory_space<semaphore_mem>>)
    %add3A_383 = arith.constant 24704 : i32
    %add3A_384 = arith.addi %mul3A_6, %add3A_383 : i32
    %dma_wait3A_385 = arith.constant 3 : i32
    %dma_wait3A_386 = arith.constant 3 : i32
    %dma_wait3A_387 = arith.constant 0 : i32
    %dma_wait3A_388 = arith.constant 0 : i32
    %dma_wait3A_389 = tpu.memref_slice %arg6[%dma_wait3A_385, %dma_wait3A_387, %dma_wait3A_388] : memref<5x128x128xf32, #tpu.memory_space<vmem>> -> memref<1x128x128xf32, #tpu.memory_space<vmem>>
    %dma_wait3A_390 = tpu.memref_squeeze %dma_wait3A_389 : memref<1x128x128xf32, #tpu.memory_space<vmem>> -> memref<128x128xf32, #tpu.memory_space<vmem>>
    %dma_wait3A_391 = arith.constant 0 : i32
    %dma_wait3A_392 = tpu.memref_slice %arg4[%add3A_384, %dma_wait3A_391] : memref<819200x128xf32, #tpu.memory_space<hbm>> -> memref<128x128xf32, #tpu.memory_space<hbm>>
    %dma_wait3A_393 = tpu.memref_slice %arg9[%dma_wait3A_386] : memref<5x!tpu.dma_semaphore, #tpu.memory_space<semaphore_mem>> -> memref<1x!tpu.dma_semaphore, #tpu.memory_space<semaphore_mem>>
    %dma_wait3A_394 = tpu.memref_squeeze %dma_wait3A_393 : memref<1x!tpu.dma_semaphore, #tpu.memory_space<semaphore_mem>> -> memref<!tpu.dma_semaphore, #tpu.memory_space<semaphore_mem>>
    %dma_wait3A_395 = arith.constant 0 : i32
    %dma_wait3A_396 = tpu.memref_slice %arg4[%add3A_384, %dma_wait3A_395] : memref<819200x128xf32, #tpu.memory_space<hbm>> -> memref<128x128xf32, #tpu.memory_space<hbm>>
    %dma_wait3A_397 = arith.constant 0 : i32
    %dma_wait3A_398 = arith.constant 0 : i32
    %dma_wait3A_399 = tpu.memref_slice %arg6[%dma_wait3A_385, %dma_wait3A_397, %dma_wait3A_398] : memref<5x128x128xf32, #tpu.memory_space<vmem>> -> memref<1x128x128xf32, #tpu.memory_space<vmem>>
    %dma_wait3A_400 = tpu.memref_squeeze %dma_wait3A_399 : memref<1x128x128xf32, #tpu.memory_space<vmem>> -> memref<128x128xf32, #tpu.memory_space<vmem>>
    tpu.wait_dma2 semaphore(%dma_wait3A_394 : memref<!tpu.dma_semaphore, #tpu.memory_space<semaphore_mem>>) src(%dma_wait3A_400 : memref<128x128xf32, #tpu.memory_space<vmem>>) dst(%dma_wait3A_396 : memref<128x128xf32, #tpu.memory_space<hbm>>)
    %dma_start3A_401 = arith.constant 198 : i32
    %dma_start3A_402 = arith.constant 3 : i32
    %dma_start3A_403 = arith.constant 3 : i32
    %dma_start3A_404 = arith.constant 0 : i32
    %dma_start3A_405 = arith.constant 0 : i32
    %dma_start3A_406 = tpu.memref_slice %arg6[%dma_start3A_402, %dma_start3A_404, %dma_start3A_405] : memref<5x128x128xf32, #tpu.memory_space<vmem>> -> memref<1x128x128xf32, #tpu.memory_space<vmem>>
    %dma_start3A_407 = tpu.memref_squeeze %dma_start3A_406 : memref<1x128x128xf32, #tpu.memory_space<vmem>> -> memref<128x128xf32, #tpu.memory_space<vmem>>
    %dma_start3A_408 = arith.constant 0 : i32
    %dma_start3A_409 = tpu.memref_slice %arg5[%dma_start3A_401, %dma_start3A_408] : memref<200x128xi32, #tpu.memory_space<vmem>> -> memref<1x128xi32, #tpu.memory_space<vmem>>
    %dma_start3A_410 = tpu.memref_squeeze %dma_start3A_409 : memref<1x128xi32, #tpu.memory_space<vmem>> -> memref<128xi32, #tpu.memory_space<vmem>>
    %dma_start3A_411 = arith.constant 0 : i32
    %dma_start3A_412 = arith.constant 0 : i32
    %dma_start3A_413 = tpu.memref_slice %arg7[%dma_start3A_411, %dma_start3A_412] : memref<1944x128xf32, #tpu.memory_space<vmem_shared>> -> memref<1944x128xf32, #tpu.memory_space<vmem_shared>>
    %dma_start3A_414 = tpu.memref_slice %arg8[%dma_start3A_403] : memref<5x!tpu.dma_semaphore, #tpu.memory_space<semaphore_mem>> -> memref<1x!tpu.dma_semaphore, #tpu.memory_space<semaphore_mem>>
    %dma_start3A_415 = tpu.memref_squeeze %dma_start3A_414 : memref<1x!tpu.dma_semaphore, #tpu.memory_space<semaphore_mem>> -> memref<!tpu.dma_semaphore, #tpu.memory_space<semaphore_mem>>
    tpu.enqueue_indirect_dma source(%dma_start3A_413 : memref<1944x128xf32, #tpu.memory_space<vmem_shared>>) target(%dma_start3A_407 : memref<128x128xf32, #tpu.memory_space<vmem>>) offsets(%dma_start3A_410 : memref<128xi32, #tpu.memory_space<vmem>>) semaphore(%dma_start3A_415 : memref<!tpu.dma_semaphore, #tpu.memory_space<semaphore_mem>>)
    %dma_wait3A_416 = arith.constant 196 : i32
    %dma_wait3A_417 = arith.constant 1 : i32
    %dma_wait3A_418 = arith.constant 1 : i32
    %dma_wait3A_419 = arith.constant 0 : i32
    %dma_wait3A_420 = arith.constant 0 : i32
    %dma_wait3A_421 = tpu.memref_slice %arg6[%dma_wait3A_417, %dma_wait3A_419, %dma_wait3A_420] : memref<5x128x128xf32, #tpu.memory_space<vmem>> -> memref<1x128x128xf32, #tpu.memory_space<vmem>>
    %dma_wait3A_422 = tpu.memref_squeeze %dma_wait3A_421 : memref<1x128x128xf32, #tpu.memory_space<vmem>> -> memref<128x128xf32, #tpu.memory_space<vmem>>
    %dma_wait3A_423 = arith.constant 0 : i32
    %dma_wait3A_424 = tpu.memref_slice %arg5[%dma_wait3A_416, %dma_wait3A_423] : memref<200x128xi32, #tpu.memory_space<vmem>> -> memref<1x128xi32, #tpu.memory_space<vmem>>
    %dma_wait3A_425 = tpu.memref_squeeze %dma_wait3A_424 : memref<1x128xi32, #tpu.memory_space<vmem>> -> memref<128xi32, #tpu.memory_space<vmem>>
    %dma_wait3A_426 = arith.constant 0 : i32
    %dma_wait3A_427 = arith.constant 0 : i32
    %dma_wait3A_428 = tpu.memref_slice %arg7[%dma_wait3A_426, %dma_wait3A_427] : memref<1944x128xf32, #tpu.memory_space<vmem_shared>> -> memref<1944x128xf32, #tpu.memory_space<vmem_shared>>
    %dma_wait3A_429 = tpu.memref_slice %arg8[%dma_wait3A_418] : memref<5x!tpu.dma_semaphore, #tpu.memory_space<semaphore_mem>> -> memref<1x!tpu.dma_semaphore, #tpu.memory_space<semaphore_mem>>
    %dma_wait3A_430 = tpu.memref_squeeze %dma_wait3A_429 : memref<1x!tpu.dma_semaphore, #tpu.memory_space<semaphore_mem>> -> memref<!tpu.dma_semaphore, #tpu.memory_space<semaphore_mem>>
    tpu.wait_indirect_dma semaphore(%dma_wait3A_430 : memref<!tpu.dma_semaphore, #tpu.memory_space<semaphore_mem>>) src(%dma_wait3A_428 : memref<1944x128xf32, #tpu.memory_space<vmem_shared>>) dst(%dma_wait3A_422 : memref<128x128xf32, #tpu.memory_space<vmem>>)
    %add3A_431 = arith.constant 25088 : i32
    %add3A_432 = arith.addi %mul3A_6, %add3A_431 : i32
    %dma_start3A_433 = arith.constant 1 : i32
    %dma_start3A_434 = arith.constant 1 : i32
    %dma_start3A_435 = arith.constant 0 : i32
    %dma_start3A_436 = arith.constant 0 : i32
    %dma_start3A_437 = tpu.memref_slice %arg6[%dma_start3A_433, %dma_start3A_435, %dma_start3A_436] : memref<5x128x128xf32, #tpu.memory_space<vmem>> -> memref<1x128x128xf32, #tpu.memory_space<vmem>>
    %dma_start3A_438 = tpu.memref_squeeze %dma_start3A_437 : memref<1x128x128xf32, #tpu.memory_space<vmem>> -> memref<128x128xf32, #tpu.memory_space<vmem>>
    %dma_start3A_439 = arith.constant 0 : i32
    %dma_start3A_440 = tpu.memref_slice %arg4[%add3A_432, %dma_start3A_439] : memref<819200x128xf32, #tpu.memory_space<hbm>> -> memref<128x128xf32, #tpu.memory_space<hbm>>
    %dma_start3A_441 = tpu.memref_slice %arg9[%dma_start3A_434] : memref<5x!tpu.dma_semaphore, #tpu.memory_space<semaphore_mem>> -> memref<1x!tpu.dma_semaphore, #tpu.memory_space<semaphore_mem>>
    %dma_start3A_442 = tpu.memref_squeeze %dma_start3A_441 : memref<1x!tpu.dma_semaphore, #tpu.memory_space<semaphore_mem>> -> memref<!tpu.dma_semaphore, #tpu.memory_space<semaphore_mem>>
    %dma_start3A_443 = arith.constant 0 : i32
    %dma_start3A_444 = tpu.memref_slice %arg4[%add3A_432, %dma_start3A_443] : memref<819200x128xf32, #tpu.memory_space<hbm>> -> memref<128x128xf32, #tpu.memory_space<hbm>>
    %dma_start3A_445 = arith.constant 0 : i32
    %dma_start3A_446 = arith.constant 0 : i32
    %dma_start3A_447 = tpu.memref_slice %arg6[%dma_start3A_433, %dma_start3A_445, %dma_start3A_446] : memref<5x128x128xf32, #tpu.memory_space<vmem>> -> memref<1x128x128xf32, #tpu.memory_space<vmem>>
    %dma_start3A_448 = tpu.memref_squeeze %dma_start3A_447 : memref<1x128x128xf32, #tpu.memory_space<vmem>> -> memref<128x128xf32, #tpu.memory_space<vmem>>
    tpu.enqueue_dma source(%dma_start3A_448 : memref<128x128xf32, #tpu.memory_space<vmem>>) target(%dma_start3A_444 : memref<128x128xf32, #tpu.memory_space<hbm>>) target_semaphore(%dma_start3A_442 : memref<!tpu.dma_semaphore, #tpu.memory_space<semaphore_mem>>)
    %add3A_449 = arith.constant 24832 : i32
    %add3A_450 = arith.addi %mul3A_6, %add3A_449 : i32
    %dma_wait3A_451 = arith.constant 4 : i32
    %dma_wait3A_452 = arith.constant 4 : i32
    %dma_wait3A_453 = arith.constant 0 : i32
    %dma_wait3A_454 = arith.constant 0 : i32
    %dma_wait3A_455 = tpu.memref_slice %arg6[%dma_wait3A_451, %dma_wait3A_453, %dma_wait3A_454] : memref<5x128x128xf32, #tpu.memory_space<vmem>> -> memref<1x128x128xf32, #tpu.memory_space<vmem>>
    %dma_wait3A_456 = tpu.memref_squeeze %dma_wait3A_455 : memref<1x128x128xf32, #tpu.memory_space<vmem>> -> memref<128x128xf32, #tpu.memory_space<vmem>>
    %dma_wait3A_457 = arith.constant 0 : i32
    %dma_wait3A_458 = tpu.memref_slice %arg4[%add3A_450, %dma_wait3A_457] : memref<819200x128xf32, #tpu.memory_space<hbm>> -> memref<128x128xf32, #tpu.memory_space<hbm>>
    %dma_wait3A_459 = tpu.memref_slice %arg9[%dma_wait3A_452] : memref<5x!tpu.dma_semaphore, #tpu.memory_space<semaphore_mem>> -> memref<1x!tpu.dma_semaphore, #tpu.memory_space<semaphore_mem>>
    %dma_wait3A_460 = tpu.memref_squeeze %dma_wait3A_459 : memref<1x!tpu.dma_semaphore, #tpu.memory_space<semaphore_mem>> -> memref<!tpu.dma_semaphore, #tpu.memory_space<semaphore_mem>>
    %dma_wait3A_461 = arith.constant 0 : i32
    %dma_wait3A_462 = tpu.memref_slice %arg4[%add3A_450, %dma_wait3A_461] : memref<819200x128xf32, #tpu.memory_space<hbm>> -> memref<128x128xf32, #tpu.memory_space<hbm>>
    %dma_wait3A_463 = arith.constant 0 : i32
    %dma_wait3A_464 = arith.constant 0 : i32
    %dma_wait3A_465 = tpu.memref_slice %arg6[%dma_wait3A_451, %dma_wait3A_463, %dma_wait3A_464] : memref<5x128x128xf32, #tpu.memory_space<vmem>> -> memref<1x128x128xf32, #tpu.memory_space<vmem>>
    %dma_wait3A_466 = tpu.memref_squeeze %dma_wait3A_465 : memref<1x128x128xf32, #tpu.memory_space<vmem>> -> memref<128x128xf32, #tpu.memory_space<vmem>>
    tpu.wait_dma2 semaphore(%dma_wait3A_460 : memref<!tpu.dma_semaphore, #tpu.memory_space<semaphore_mem>>) src(%dma_wait3A_466 : memref<128x128xf32, #tpu.memory_space<vmem>>) dst(%dma_wait3A_462 : memref<128x128xf32, #tpu.memory_space<hbm>>)
    %dma_start3A_467 = arith.constant 199 : i32
    %dma_start3A_468 = arith.constant 4 : i32
    %dma_start3A_469 = arith.constant 4 : i32
    %dma_start3A_470 = arith.constant 0 : i32
    %dma_start3A_471 = arith.constant 0 : i32
    %dma_start3A_472 = tpu.memref_slice %arg6[%dma_start3A_468, %dma_start3A_470, %dma_start3A_471] : memref<5x128x128xf32, #tpu.memory_space<vmem>> -> memref<1x128x128xf32, #tpu.memory_space<vmem>>
    %dma_start3A_473 = tpu.memref_squeeze %dma_start3A_472 : memref<1x128x128xf32, #tpu.memory_space<vmem>> -> memref<128x128xf32, #tpu.memory_space<vmem>>
    %dma_start3A_474 = arith.constant 0 : i32
    %dma_start3A_475 = tpu.memref_slice %arg5[%dma_start3A_467, %dma_start3A_474] : memref<200x128xi32, #tpu.memory_space<vmem>> -> memref<1x128xi32, #tpu.memory_space<vmem>>
    %dma_start3A_476 = tpu.memref_squeeze %dma_start3A_475 : memref<1x128xi32, #tpu.memory_space<vmem>> -> memref<128xi32, #tpu.memory_space<vmem>>
    %dma_start3A_477 = arith.constant 0 : i32
    %dma_start3A_478 = arith.constant 0 : i32
    %dma_start3A_479 = tpu.memref_slice %arg7[%dma_start3A_477, %dma_start3A_478] : memref<1944x128xf32, #tpu.memory_space<vmem_shared>> -> memref<1944x128xf32, #tpu.memory_space<vmem_shared>>
    %dma_start3A_480 = tpu.memref_slice %arg8[%dma_start3A_469] : memref<5x!tpu.dma_semaphore, #tpu.memory_space<semaphore_mem>> -> memref<1x!tpu.dma_semaphore, #tpu.memory_space<semaphore_mem>>
    %dma_start3A_481 = tpu.memref_squeeze %dma_start3A_480 : memref<1x!tpu.dma_semaphore, #tpu.memory_space<semaphore_mem>> -> memref<!tpu.dma_semaphore, #tpu.memory_space<semaphore_mem>>
    tpu.enqueue_indirect_dma source(%dma_start3A_479 : memref<1944x128xf32, #tpu.memory_space<vmem_shared>>) target(%dma_start3A_473 : memref<128x128xf32, #tpu.memory_space<vmem>>) offsets(%dma_start3A_476 : memref<128xi32, #tpu.memory_space<vmem>>) semaphore(%dma_start3A_481 : memref<!tpu.dma_semaphore, #tpu.memory_space<semaphore_mem>>)
    %dma_wait3A_482 = arith.constant 197 : i32
    %dma_wait3A_483 = arith.constant 2 : i32
    %dma_wait3A_484 = arith.constant 2 : i32
    %dma_wait3A_485 = arith.constant 0 : i32
    %dma_wait3A_486 = arith.constant 0 : i32
    %dma_wait3A_487 = tpu.memref_slice %arg6[%dma_wait3A_483, %dma_wait3A_485, %dma_wait3A_486] : memref<5x128x128xf32, #tpu.memory_space<vmem>> -> memref<1x128x128xf32, #tpu.memory_space<vmem>>
    %dma_wait3A_488 = tpu.memref_squeeze %dma_wait3A_487 : memref<1x128x128xf32, #tpu.memory_space<vmem>> -> memref<128x128xf32, #tpu.memory_space<vmem>>
    %dma_wait3A_489 = arith.constant 0 : i32
    %dma_wait3A_490 = tpu.memref_slice %arg5[%dma_wait3A_482, %dma_wait3A_489] : memref<200x128xi32, #tpu.memory_space<vmem>> -> memref<1x128xi32, #tpu.memory_space<vmem>>
    %dma_wait3A_491 = tpu.memref_squeeze %dma_wait3A_490 : memref<1x128xi32, #tpu.memory_space<vmem>> -> memref<128xi32, #tpu.memory_space<vmem>>
    %dma_wait3A_492 = arith.constant 0 : i32
    %dma_wait3A_493 = arith.constant 0 : i32
    %dma_wait3A_494 = tpu.memref_slice %arg7[%dma_wait3A_492, %dma_wait3A_493] : memref<1944x128xf32, #tpu.memory_space<vmem_shared>> -> memref<1944x128xf32, #tpu.memory_space<vmem_shared>>
    %dma_wait3A_495 = tpu.memref_slice %arg8[%dma_wait3A_484] : memref<5x!tpu.dma_semaphore, #tpu.memory_space<semaphore_mem>> -> memref<1x!tpu.dma_semaphore, #tpu.memory_space<semaphore_mem>>
    %dma_wait3A_496 = tpu.memref_squeeze %dma_wait3A_495 : memref<1x!tpu.dma_semaphore, #tpu.memory_space<semaphore_mem>> -> memref<!tpu.dma_semaphore, #tpu.memory_space<semaphore_mem>>
    tpu.wait_indirect_dma semaphore(%dma_wait3A_496 : memref<!tpu.dma_semaphore, #tpu.memory_space<semaphore_mem>>) src(%dma_wait3A_494 : memref<1944x128xf32, #tpu.memory_space<vmem_shared>>) dst(%dma_wait3A_488 : memref<128x128xf32, #tpu.memory_space<vmem>>)
    %add3A_497 = arith.constant 25216 : i32
    %add3A_498 = arith.addi %mul3A_6, %add3A_497 : i32
    %dma_start3A_499 = arith.constant 2 : i32
    %dma_start3A_500 = arith.constant 2 : i32
    %dma_start3A_501 = arith.constant 0 : i32
    %dma_start3A_502 = arith.constant 0 : i32
    %dma_start3A_503 = tpu.memref_slice %arg6[%dma_start3A_499, %dma_start3A_501, %dma_start3A_502] : memref<5x128x128xf32, #tpu.memory_space<vmem>> -> memref<1x128x128xf32, #tpu.memory_space<vmem>>
    %dma_start3A_504 = tpu.memref_squeeze %dma_start3A_503 : memref<1x128x128xf32, #tpu.memory_space<vmem>> -> memref<128x128xf32, #tpu.memory_space<vmem>>
    %dma_start3A_505 = arith.constant 0 : i32
    %dma_start3A_506 = tpu.memref_slice %arg4[%add3A_498, %dma_start3A_505] : memref<819200x128xf32, #tpu.memory_space<hbm>> -> memref<128x128xf32, #tpu.memory_space<hbm>>
    %dma_start3A_507 = tpu.memref_slice %arg9[%dma_start3A_500] : memref<5x!tpu.dma_semaphore, #tpu.memory_space<semaphore_mem>> -> memref<1x!tpu.dma_semaphore, #tpu.memory_space<semaphore_mem>>
    %dma_start3A_508 = tpu.memref_squeeze %dma_start3A_507 : memref<1x!tpu.dma_semaphore, #tpu.memory_space<semaphore_mem>> -> memref<!tpu.dma_semaphore, #tpu.memory_space<semaphore_mem>>
    %dma_start3A_509 = arith.constant 0 : i32
    %dma_start3A_510 = tpu.memref_slice %arg4[%add3A_498, %dma_start3A_509] : memref<819200x128xf32, #tpu.memory_space<hbm>> -> memref<128x128xf32, #tpu.memory_space<hbm>>
    %dma_start3A_511 = arith.constant 0 : i32
    %dma_start3A_512 = arith.constant 0 : i32
    %dma_start3A_513 = tpu.memref_slice %arg6[%dma_start3A_499, %dma_start3A_511, %dma_start3A_512] : memref<5x128x128xf32, #tpu.memory_space<vmem>> -> memref<1x128x128xf32, #tpu.memory_space<vmem>>
    %dma_start3A_514 = tpu.memref_squeeze %dma_start3A_513 : memref<1x128x128xf32, #tpu.memory_space<vmem>> -> memref<128x128xf32, #tpu.memory_space<vmem>>
    tpu.enqueue_dma source(%dma_start3A_514 : memref<128x128xf32, #tpu.memory_space<vmem>>) target(%dma_start3A_510 : memref<128x128xf32, #tpu.memory_space<hbm>>) target_semaphore(%dma_start3A_508 : memref<!tpu.dma_semaphore, #tpu.memory_space<semaphore_mem>>)
    %add3A_515 = arith.constant 24960 : i32
    %add3A_516 = arith.addi %mul3A_6, %add3A_515 : i32
    %dma_wait3A_517 = arith.constant 0 : i32
    %dma_wait3A_518 = arith.constant 0 : i32
    %dma_wait3A_519 = arith.constant 0 : i32
    %dma_wait3A_520 = arith.constant 0 : i32
    %dma_wait3A_521 = tpu.memref_slice %arg6[%dma_wait3A_517, %dma_wait3A_519, %dma_wait3A_520] : memref<5x128x128xf32, #tpu.memory_space<vmem>> -> memref<1x128x128xf32, #tpu.memory_space<vmem>>
    %dma_wait3A_522 = tpu.memref_squeeze %dma_wait3A_521 : memref<1x128x128xf32, #tpu.memory_space<vmem>> -> memref<128x128xf32, #tpu.memory_space<vmem>>
    %dma_wait3A_523 = arith.constant 0 : i32
    %dma_wait3A_524 = tpu.memref_slice %arg4[%add3A_516, %dma_wait3A_523] : memref<819200x128xf32, #tpu.memory_space<hbm>> -> memref<128x128xf32, #tpu.memory_space<hbm>>
    %dma_wait3A_525 = tpu.memref_slice %arg9[%dma_wait3A_518] : memref<5x!tpu.dma_semaphore, #tpu.memory_space<semaphore_mem>> -> memref<1x!tpu.dma_semaphore, #tpu.memory_space<semaphore_mem>>
    %dma_wait3A_526 = tpu.memref_squeeze %dma_wait3A_525 : memref<1x!tpu.dma_semaphore, #tpu.memory_space<semaphore_mem>> -> memref<!tpu.dma_semaphore, #tpu.memory_space<semaphore_mem>>
    %dma_wait3A_527 = arith.constant 0 : i32
    %dma_wait3A_528 = tpu.memref_slice %arg4[%add3A_516, %dma_wait3A_527] : memref<819200x128xf32, #tpu.memory_space<hbm>> -> memref<128x128xf32, #tpu.memory_space<hbm>>
    %dma_wait3A_529 = arith.constant 0 : i32
    %dma_wait3A_530 = arith.constant 0 : i32
    %dma_wait3A_531 = tpu.memref_slice %arg6[%dma_wait3A_517, %dma_wait3A_529, %dma_wait3A_530] : memref<5x128x128xf32, #tpu.memory_space<vmem>> -> memref<1x128x128xf32, #tpu.memory_space<vmem>>
    %dma_wait3A_532 = tpu.memref_squeeze %dma_wait3A_531 : memref<1x128x128xf32, #tpu.memory_space<vmem>> -> memref<128x128xf32, #tpu.memory_space<vmem>>
    tpu.wait_dma2 semaphore(%dma_wait3A_526 : memref<!tpu.dma_semaphore, #tpu.memory_space<semaphore_mem>>) src(%dma_wait3A_532 : memref<128x128xf32, #tpu.memory_space<vmem>>) dst(%dma_wait3A_528 : memref<128x128xf32, #tpu.memory_space<hbm>>)
    %dma_wait3A_533 = arith.constant 198 : i32
    %dma_wait3A_534 = arith.constant 3 : i32
    %dma_wait3A_535 = arith.constant 3 : i32
    %dma_wait3A_536 = arith.constant 0 : i32
    %dma_wait3A_537 = arith.constant 0 : i32
    %dma_wait3A_538 = tpu.memref_slice %arg6[%dma_wait3A_534, %dma_wait3A_536, %dma_wait3A_537] : memref<5x128x128xf32, #tpu.memory_space<vmem>> -> memref<1x128x128xf32, #tpu.memory_space<vmem>>
    %dma_wait3A_539 = tpu.memref_squeeze %dma_wait3A_538 : memref<1x128x128xf32, #tpu.memory_space<vmem>> -> memref<128x128xf32, #tpu.memory_space<vmem>>
    %dma_wait3A_540 = arith.constant 0 : i32
    %dma_wait3A_541 = tpu.memref_slice %arg5[%dma_wait3A_533, %dma_wait3A_540] : memref<200x128xi32, #tpu.memory_space<vmem>> -> memref<1x128xi32, #tpu.memory_space<vmem>>
    %dma_wait3A_542 = tpu.memref_squeeze %dma_wait3A_541 : memref<1x128xi32, #tpu.memory_space<vmem>> -> memref<128xi32, #tpu.memory_space<vmem>>
    %dma_wait3A_543 = arith.constant 0 : i32
    %dma_wait3A_544 = arith.constant 0 : i32
    %dma_wait3A_545 = tpu.memref_slice %arg7[%dma_wait3A_543, %dma_wait3A_544] : memref<1944x128xf32, #tpu.memory_space<vmem_shared>> -> memref<1944x128xf32, #tpu.memory_space<vmem_shared>>
    %dma_wait3A_546 = tpu.memref_slice %arg8[%dma_wait3A_535] : memref<5x!tpu.dma_semaphore, #tpu.memory_space<semaphore_mem>> -> memref<1x!tpu.dma_semaphore, #tpu.memory_space<semaphore_mem>>
    %dma_wait3A_547 = tpu.memref_squeeze %dma_wait3A_546 : memref<1x!tpu.dma_semaphore, #tpu.memory_space<semaphore_mem>> -> memref<!tpu.dma_semaphore, #tpu.memory_space<semaphore_mem>>
    tpu.wait_indirect_dma semaphore(%dma_wait3A_547 : memref<!tpu.dma_semaphore, #tpu.memory_space<semaphore_mem>>) src(%dma_wait3A_545 : memref<1944x128xf32, #tpu.memory_space<vmem_shared>>) dst(%dma_wait3A_539 : memref<128x128xf32, #tpu.memory_space<vmem>>)
    %add3A_548 = arith.constant 25344 : i32
    %add3A_549 = arith.addi %mul3A_6, %add3A_548 : i32
    %dma_start3A_550 = arith.constant 3 : i32
    %dma_start3A_551 = arith.constant 3 : i32
    %dma_start3A_552 = arith.constant 0 : i32
    %dma_start3A_553 = arith.constant 0 : i32
    %dma_start3A_554 = tpu.memref_slice %arg6[%dma_start3A_550, %dma_start3A_552, %dma_start3A_553] : memref<5x128x128xf32, #tpu.memory_space<vmem>> -> memref<1x128x128xf32, #tpu.memory_space<vmem>>
    %dma_start3A_555 = tpu.memref_squeeze %dma_start3A_554 : memref<1x128x128xf32, #tpu.memory_space<vmem>> -> memref<128x128xf32, #tpu.memory_space<vmem>>
    %dma_start3A_556 = arith.constant 0 : i32
    %dma_start3A_557 = tpu.memref_slice %arg4[%add3A_549, %dma_start3A_556] : memref<819200x128xf32, #tpu.memory_space<hbm>> -> memref<128x128xf32, #tpu.memory_space<hbm>>
    %dma_start3A_558 = tpu.memref_slice %arg9[%dma_start3A_551] : memref<5x!tpu.dma_semaphore, #tpu.memory_space<semaphore_mem>> -> memref<1x!tpu.dma_semaphore, #tpu.memory_space<semaphore_mem>>
    %dma_start3A_559 = tpu.memref_squeeze %dma_start3A_558 : memref<1x!tpu.dma_semaphore, #tpu.memory_space<semaphore_mem>> -> memref<!tpu.dma_semaphore, #tpu.memory_space<semaphore_mem>>
    %dma_start3A_560 = arith.constant 0 : i32
    %dma_start3A_561 = tpu.memref_slice %arg4[%add3A_549, %dma_start3A_560] : memref<819200x128xf32, #tpu.memory_space<hbm>> -> memref<128x128xf32, #tpu.memory_space<hbm>>
    %dma_start3A_562 = arith.constant 0 : i32
    %dma_start3A_563 = arith.constant 0 : i32
    %dma_start3A_564 = tpu.memref_slice %arg6[%dma_start3A_550, %dma_start3A_562, %dma_start3A_563] : memref<5x128x128xf32, #tpu.memory_space<vmem>> -> memref<1x128x128xf32, #tpu.memory_space<vmem>>
    %dma_start3A_565 = tpu.memref_squeeze %dma_start3A_564 : memref<1x128x128xf32, #tpu.memory_space<vmem>> -> memref<128x128xf32, #tpu.memory_space<vmem>>
    tpu.enqueue_dma source(%dma_start3A_565 : memref<128x128xf32, #tpu.memory_space<vmem>>) target(%dma_start3A_561 : memref<128x128xf32, #tpu.memory_space<hbm>>) target_semaphore(%dma_start3A_559 : memref<!tpu.dma_semaphore, #tpu.memory_space<semaphore_mem>>)
    %add3A_566 = arith.constant 25088 : i32
    %add3A_567 = arith.addi %mul3A_6, %add3A_566 : i32
    %dma_wait3A_568 = arith.constant 1 : i32
    %dma_wait3A_569 = arith.constant 1 : i32
    %dma_wait3A_570 = arith.constant 0 : i32
    %dma_wait3A_571 = arith.constant 0 : i32
    %dma_wait3A_572 = tpu.memref_slice %arg6[%dma_wait3A_568, %dma_wait3A_570, %dma_wait3A_571] : memref<5x128x128xf32, #tpu.memory_space<vmem>> -> memref<1x128x128xf32, #tpu.memory_space<vmem>>
    %dma_wait3A_573 = tpu.memref_squeeze %dma_wait3A_572 : memref<1x128x128xf32, #tpu.memory_space<vmem>> -> memref<128x128xf32, #tpu.memory_space<vmem>>
    %dma_wait3A_574 = arith.constant 0 : i32
    %dma_wait3A_575 = tpu.memref_slice %arg4[%add3A_567, %dma_wait3A_574] : memref<819200x128xf32, #tpu.memory_space<hbm>> -> memref<128x128xf32, #tpu.memory_space<hbm>>
    %dma_wait3A_576 = tpu.memref_slice %arg9[%dma_wait3A_569] : memref<5x!tpu.dma_semaphore, #tpu.memory_space<semaphore_mem>> -> memref<1x!tpu.dma_semaphore, #tpu.memory_space<semaphore_mem>>
    %dma_wait3A_577 = tpu.memref_squeeze %dma_wait3A_576 : memref<1x!tpu.dma_semaphore, #tpu.memory_space<semaphore_mem>> -> memref<!tpu.dma_semaphore, #tpu.memory_space<semaphore_mem>>
    %dma_wait3A_578 = arith.constant 0 : i32
    %dma_wait3A_579 = tpu.memref_slice %arg4[%add3A_567, %dma_wait3A_578] : memref<819200x128xf32, #tpu.memory_space<hbm>> -> memref<128x128xf32, #tpu.memory_space<hbm>>
    %dma_wait3A_580 = arith.constant 0 : i32
    %dma_wait3A_581 = arith.constant 0 : i32
    %dma_wait3A_582 = tpu.memref_slice %arg6[%dma_wait3A_568, %dma_wait3A_580, %dma_wait3A_581] : memref<5x128x128xf32, #tpu.memory_space<vmem>> -> memref<1x128x128xf32, #tpu.memory_space<vmem>>
    %dma_wait3A_583 = tpu.memref_squeeze %dma_wait3A_582 : memref<1x128x128xf32, #tpu.memory_space<vmem>> -> memref<128x128xf32, #tpu.memory_space<vmem>>
    tpu.wait_dma2 semaphore(%dma_wait3A_577 : memref<!tpu.dma_semaphore, #tpu.memory_space<semaphore_mem>>) src(%dma_wait3A_583 : memref<128x128xf32, #tpu.memory_space<vmem>>) dst(%dma_wait3A_579 : memref<128x128xf32, #tpu.memory_space<hbm>>)
    %dma_wait3A_584 = arith.constant 199 : i32
    %dma_wait3A_585 = arith.constant 4 : i32
    %dma_wait3A_586 = arith.constant 4 : i32
    %dma_wait3A_587 = arith.constant 0 : i32
    %dma_wait3A_588 = arith.constant 0 : i32
    %dma_wait3A_589 = tpu.memref_slice %arg6[%dma_wait3A_585, %dma_wait3A_587, %dma_wait3A_588] : memref<5x128x128xf32, #tpu.memory_space<vmem>> -> memref<1x128x128xf32, #tpu.memory_space<vmem>>
    %dma_wait3A_590 = tpu.memref_squeeze %dma_wait3A_589 : memref<1x128x128xf32, #tpu.memory_space<vmem>> -> memref<128x128xf32, #tpu.memory_space<vmem>>
    %dma_wait3A_591 = arith.constant 0 : i32
    %dma_wait3A_592 = tpu.memref_slice %arg5[%dma_wait3A_584, %dma_wait3A_591] : memref<200x128xi32, #tpu.memory_space<vmem>> -> memref<1x128xi32, #tpu.memory_space<vmem>>
    %dma_wait3A_593 = tpu.memref_squeeze %dma_wait3A_592 : memref<1x128xi32, #tpu.memory_space<vmem>> -> memref<128xi32, #tpu.memory_space<vmem>>
    %dma_wait3A_594 = arith.constant 0 : i32
    %dma_wait3A_595 = arith.constant 0 : i32
    %dma_wait3A_596 = tpu.memref_slice %arg7[%dma_wait3A_594, %dma_wait3A_595] : memref<1944x128xf32, #tpu.memory_space<vmem_shared>> -> memref<1944x128xf32, #tpu.memory_space<vmem_shared>>
    %dma_wait3A_597 = tpu.memref_slice %arg8[%dma_wait3A_586] : memref<5x!tpu.dma_semaphore, #tpu.memory_space<semaphore_mem>> -> memref<1x!tpu.dma_semaphore, #tpu.memory_space<semaphore_mem>>
    %dma_wait3A_598 = tpu.memref_squeeze %dma_wait3A_597 : memref<1x!tpu.dma_semaphore, #tpu.memory_space<semaphore_mem>> -> memref<!tpu.dma_semaphore, #tpu.memory_space<semaphore_mem>>
    tpu.wait_indirect_dma semaphore(%dma_wait3A_598 : memref<!tpu.dma_semaphore, #tpu.memory_space<semaphore_mem>>) src(%dma_wait3A_596 : memref<1944x128xf32, #tpu.memory_space<vmem_shared>>) dst(%dma_wait3A_590 : memref<128x128xf32, #tpu.memory_space<vmem>>)
    %add3A_599 = arith.constant 25472 : i32
    %add3A_600 = arith.addi %mul3A_6, %add3A_599 : i32
    %dma_start3A_601 = arith.constant 4 : i32
    %dma_start3A_602 = arith.constant 4 : i32
    %dma_start3A_603 = arith.constant 0 : i32
    %dma_start3A_604 = arith.constant 0 : i32
    %dma_start3A_605 = tpu.memref_slice %arg6[%dma_start3A_601, %dma_start3A_603, %dma_start3A_604] : memref<5x128x128xf32, #tpu.memory_space<vmem>> -> memref<1x128x128xf32, #tpu.memory_space<vmem>>
    %dma_start3A_606 = tpu.memref_squeeze %dma_start3A_605 : memref<1x128x128xf32, #tpu.memory_space<vmem>> -> memref<128x128xf32, #tpu.memory_space<vmem>>
    %dma_start3A_607 = arith.constant 0 : i32
    %dma_start3A_608 = tpu.memref_slice %arg4[%add3A_600, %dma_start3A_607] : memref<819200x128xf32, #tpu.memory_space<hbm>> -> memref<128x128xf32, #tpu.memory_space<hbm>>
    %dma_start3A_609 = tpu.memref_slice %arg9[%dma_start3A_602] : memref<5x!tpu.dma_semaphore, #tpu.memory_space<semaphore_mem>> -> memref<1x!tpu.dma_semaphore, #tpu.memory_space<semaphore_mem>>
    %dma_start3A_610 = tpu.memref_squeeze %dma_start3A_609 : memref<1x!tpu.dma_semaphore, #tpu.memory_space<semaphore_mem>> -> memref<!tpu.dma_semaphore, #tpu.memory_space<semaphore_mem>>
    %dma_start3A_611 = arith.constant 0 : i32
    %dma_start3A_612 = tpu.memref_slice %arg4[%add3A_600, %dma_start3A_611] : memref<819200x128xf32, #tpu.memory_space<hbm>> -> memref<128x128xf32, #tpu.memory_space<hbm>>
    %dma_start3A_613 = arith.constant 0 : i32
    %dma_start3A_614 = arith.constant 0 : i32
    %dma_start3A_615 = tpu.memref_slice %arg6[%dma_start3A_601, %dma_start3A_613, %dma_start3A_614] : memref<5x128x128xf32, #tpu.memory_space<vmem>> -> memref<1x128x128xf32, #tpu.memory_space<vmem>>
    %dma_start3A_616 = tpu.memref_squeeze %dma_start3A_615 : memref<1x128x128xf32, #tpu.memory_space<vmem>> -> memref<128x128xf32, #tpu.memory_space<vmem>>
    tpu.enqueue_dma source(%dma_start3A_616 : memref<128x128xf32, #tpu.memory_space<vmem>>) target(%dma_start3A_612 : memref<128x128xf32, #tpu.memory_space<hbm>>) target_semaphore(%dma_start3A_610 : memref<!tpu.dma_semaphore, #tpu.memory_space<semaphore_mem>>)
    %add3A_617 = arith.constant 25216 : i32
    %add3A_618 = arith.addi %mul3A_6, %add3A_617 : i32
    %dma_wait3A_619 = arith.constant 2 : i32
    %dma_wait3A_620 = arith.constant 2 : i32
    %dma_wait3A_621 = arith.constant 0 : i32
    %dma_wait3A_622 = arith.constant 0 : i32
    %dma_wait3A_623 = tpu.memref_slice %arg6[%dma_wait3A_619, %dma_wait3A_621, %dma_wait3A_622] : memref<5x128x128xf32, #tpu.memory_space<vmem>> -> memref<1x128x128xf32, #tpu.memory_space<vmem>>
    %dma_wait3A_624 = tpu.memref_squeeze %dma_wait3A_623 : memref<1x128x128xf32, #tpu.memory_space<vmem>> -> memref<128x128xf32, #tpu.memory_space<vmem>>
    %dma_wait3A_625 = arith.constant 0 : i32
    %dma_wait3A_626 = tpu.memref_slice %arg4[%add3A_618, %dma_wait3A_625] : memref<819200x128xf32, #tpu.memory_space<hbm>> -> memref<128x128xf32, #tpu.memory_space<hbm>>
    %dma_wait3A_627 = tpu.memref_slice %arg9[%dma_wait3A_620] : memref<5x!tpu.dma_semaphore, #tpu.memory_space<semaphore_mem>> -> memref<1x!tpu.dma_semaphore, #tpu.memory_space<semaphore_mem>>
    %dma_wait3A_628 = tpu.memref_squeeze %dma_wait3A_627 : memref<1x!tpu.dma_semaphore, #tpu.memory_space<semaphore_mem>> -> memref<!tpu.dma_semaphore, #tpu.memory_space<semaphore_mem>>
    %dma_wait3A_629 = arith.constant 0 : i32
    %dma_wait3A_630 = tpu.memref_slice %arg4[%add3A_618, %dma_wait3A_629] : memref<819200x128xf32, #tpu.memory_space<hbm>> -> memref<128x128xf32, #tpu.memory_space<hbm>>
    %dma_wait3A_631 = arith.constant 0 : i32
    %dma_wait3A_632 = arith.constant 0 : i32
    %dma_wait3A_633 = tpu.memref_slice %arg6[%dma_wait3A_619, %dma_wait3A_631, %dma_wait3A_632] : memref<5x128x128xf32, #tpu.memory_space<vmem>> -> memref<1x128x128xf32, #tpu.memory_space<vmem>>
    %dma_wait3A_634 = tpu.memref_squeeze %dma_wait3A_633 : memref<1x128x128xf32, #tpu.memory_space<vmem>> -> memref<128x128xf32, #tpu.memory_space<vmem>>
    tpu.wait_dma2 semaphore(%dma_wait3A_628 : memref<!tpu.dma_semaphore, #tpu.memory_space<semaphore_mem>>) src(%dma_wait3A_634 : memref<128x128xf32, #tpu.memory_space<vmem>>) dst(%dma_wait3A_630 : memref<128x128xf32, #tpu.memory_space<hbm>>)
    %add3A_635 = arith.constant 25344 : i32
    %add3A_636 = arith.addi %mul3A_6, %add3A_635 : i32
    %dma_wait3A_637 = arith.constant 3 : i32
    %dma_wait3A_638 = arith.constant 3 : i32
    %dma_wait3A_639 = arith.constant 0 : i32
    %dma_wait3A_640 = arith.constant 0 : i32
    %dma_wait3A_641 = tpu.memref_slice %arg6[%dma_wait3A_637, %dma_wait3A_639, %dma_wait3A_640] : memref<5x128x128xf32, #tpu.memory_space<vmem>> -> memref<1x128x128xf32, #tpu.memory_space<vmem>>
    %dma_wait3A_642 = tpu.memref_squeeze %dma_wait3A_641 : memref<1x128x128xf32, #tpu.memory_space<vmem>> -> memref<128x128xf32, #tpu.memory_space<vmem>>
    %dma_wait3A_643 = arith.constant 0 : i32
    %dma_wait3A_644 = tpu.memref_slice %arg4[%add3A_636, %dma_wait3A_643] : memref<819200x128xf32, #tpu.memory_space<hbm>> -> memref<128x128xf32, #tpu.memory_space<hbm>>
    %dma_wait3A_645 = tpu.memref_slice %arg9[%dma_wait3A_638] : memref<5x!tpu.dma_semaphore, #tpu.memory_space<semaphore_mem>> -> memref<1x!tpu.dma_semaphore, #tpu.memory_space<semaphore_mem>>
    %dma_wait3A_646 = tpu.memref_squeeze %dma_wait3A_645 : memref<1x!tpu.dma_semaphore, #tpu.memory_space<semaphore_mem>> -> memref<!tpu.dma_semaphore, #tpu.memory_space<semaphore_mem>>
    %dma_wait3A_647 = arith.constant 0 : i32
    %dma_wait3A_648 = tpu.memref_slice %arg4[%add3A_636, %dma_wait3A_647] : memref<819200x128xf32, #tpu.memory_space<hbm>> -> memref<128x128xf32, #tpu.memory_space<hbm>>
    %dma_wait3A_649 = arith.constant 0 : i32
    %dma_wait3A_650 = arith.constant 0 : i32
    %dma_wait3A_651 = tpu.memref_slice %arg6[%dma_wait3A_637, %dma_wait3A_649, %dma_wait3A_650] : memref<5x128x128xf32, #tpu.memory_space<vmem>> -> memref<1x128x128xf32, #tpu.memory_space<vmem>>
    %dma_wait3A_652 = tpu.memref_squeeze %dma_wait3A_651 : memref<1x128x128xf32, #tpu.memory_space<vmem>> -> memref<128x128xf32, #tpu.memory_space<vmem>>
    tpu.wait_dma2 semaphore(%dma_wait3A_646 : memref<!tpu.dma_semaphore, #tpu.memory_space<semaphore_mem>>) src(%dma_wait3A_652 : memref<128x128xf32, #tpu.memory_space<vmem>>) dst(%dma_wait3A_648 : memref<128x128xf32, #tpu.memory_space<hbm>>)
    %add3A_653 = arith.constant 25472 : i32
    %add3A_654 = arith.addi %mul3A_6, %add3A_653 : i32
    %dma_wait3A_655 = arith.constant 4 : i32
    %dma_wait3A_656 = arith.constant 4 : i32
    %dma_wait3A_657 = arith.constant 0 : i32
    %dma_wait3A_658 = arith.constant 0 : i32
    %dma_wait3A_659 = tpu.memref_slice %arg6[%dma_wait3A_655, %dma_wait3A_657, %dma_wait3A_658] : memref<5x128x128xf32, #tpu.memory_space<vmem>> -> memref<1x128x128xf32, #tpu.memory_space<vmem>>
    %dma_wait3A_660 = tpu.memref_squeeze %dma_wait3A_659 : memref<1x128x128xf32, #tpu.memory_space<vmem>> -> memref<128x128xf32, #tpu.memory_space<vmem>>
    %dma_wait3A_661 = arith.constant 0 : i32
    %dma_wait3A_662 = tpu.memref_slice %arg4[%add3A_654, %dma_wait3A_661] : memref<819200x128xf32, #tpu.memory_space<hbm>> -> memref<128x128xf32, #tpu.memory_space<hbm>>
    %dma_wait3A_663 = tpu.memref_slice %arg9[%dma_wait3A_656] : memref<5x!tpu.dma_semaphore, #tpu.memory_space<semaphore_mem>> -> memref<1x!tpu.dma_semaphore, #tpu.memory_space<semaphore_mem>>
    %dma_wait3A_664 = tpu.memref_squeeze %dma_wait3A_663 : memref<1x!tpu.dma_semaphore, #tpu.memory_space<semaphore_mem>> -> memref<!tpu.dma_semaphore, #tpu.memory_space<semaphore_mem>>
    %dma_wait3A_665 = arith.constant 0 : i32
    %dma_wait3A_666 = tpu.memref_slice %arg4[%add3A_654, %dma_wait3A_665] : memref<819200x128xf32, #tpu.memory_space<hbm>> -> memref<128x128xf32, #tpu.memory_space<hbm>>
    %dma_wait3A_667 = arith.constant 0 : i32
    %dma_wait3A_668 = arith.constant 0 : i32
    %dma_wait3A_669 = tpu.memref_slice %arg6[%dma_wait3A_655, %dma_wait3A_667, %dma_wait3A_668] : memref<5x128x128xf32, #tpu.memory_space<vmem>> -> memref<1x128x128xf32, #tpu.memory_space<vmem>>
    %dma_wait3A_670 = tpu.memref_squeeze %dma_wait3A_669 : memref<1x128x128xf32, #tpu.memory_space<vmem>> -> memref<128x128xf32, #tpu.memory_space<vmem>>
    tpu.wait_dma2 semaphore(%dma_wait3A_664 : memref<!tpu.dma_semaphore, #tpu.memory_space<semaphore_mem>>) src(%dma_wait3A_670 : memref<128x128xf32, #tpu.memory_space<vmem>>) dst(%dma_wait3A_666 : memref<128x128xf32, #tpu.memory_space<hbm>>)
    return
  }
}

module attributes {stable_mosaic.version = 14 : i64} {
  func.func @_tc_body(%arg0: i32, %arg1: memref<512x200xi32, #tpu.memory_space<vmem>>, %arg2: memref<512x200xi32, #tpu.memory_space<vmem>>, %arg3: memref<512x200xi32, #tpu.memory_space<vmem>>, %arg4: memref<27x128xf32, #tpu.memory_space<vmem>>, %arg5: memref<12x32xf32, #tpu.memory_space<vmem>>, %arg6: memref<6x64xf32, #tpu.memory_space<vmem>>, %arg7: memref<128x224xf32, #tpu.memory_space<vmem>>, %arg8: memref<1x128xf32, #tpu.memory_space<vmem>>, %arg9: memref<1x128xf32, #tpu.memory_space<vmem>>, %arg10: memref<1x128xf32, #tpu.memory_space<vmem>>, %arg11: memref<512x200xi32, #tpu.memory_space<vmem>>, %arg12: memref<1944x128xf32, #tpu.memory_space<vmem>>) attributes {dimension_semantics = [#tpu.dimension_semantics<arbitrary>], iteration_bounds = array<i64: 8>, scalar_prefetch = 0 : i64, scratch_operands = 0 : i64, tpu.core_type = #tpu.core_type<tc>, window_params = [{transform_indices = @transform_0, window_bounds = array<i64: 512, 200>}, {transform_indices = @transform_1, window_bounds = array<i64: 512, 200>}, {transform_indices = @transform_2, window_bounds = array<i64: 512, 200>}, {pipeline_mode = #tpu.pipeline_mode<synchronous>, transform_indices = @transform_3, window_bounds = array<i64: 27, 128>}, {pipeline_mode = #tpu.pipeline_mode<synchronous>, transform_indices = @transform_4, window_bounds = array<i64: 12, 32>}, {pipeline_mode = #tpu.pipeline_mode<synchronous>, transform_indices = @transform_5, window_bounds = array<i64: 6, 64>}, {pipeline_mode = #tpu.pipeline_mode<synchronous>, transform_indices = @transform_6, window_bounds = array<i64: 128, 224>}, {pipeline_mode = #tpu.pipeline_mode<synchronous>, transform_indices = @transform_7, window_bounds = array<i64: 1, 128>}, {pipeline_mode = #tpu.pipeline_mode<synchronous>, transform_indices = @transform_8, window_bounds = array<i64: 1, 128>}, {pipeline_mode = #tpu.pipeline_mode<synchronous>, transform_indices = @transform_9, window_bounds = array<i64: 1, 128>}, {transform_indices = @transform_10, window_bounds = array<i64: 512, 200>}, {pipeline_mode = #tpu.pipeline_mode<synchronous>, transform_indices = @transform_11, window_bounds = array<i64: 1944, 128>}]} {
    %get3A = arith.constant 0 : index
    %get3A_0 = arith.constant 0 : index
    %get3A_1 = vector.load %arg1[%get3A, %get3A_0] : memref<512x200xi32, #tpu.memory_space<vmem>>, vector<512x200xi32>
    %mul3A = arith.constant 72 : i32
    %mul3A_2 = vector.broadcast %mul3A : i32 to vector<512x200xi32>
    %mul3A_3 = arith.muli %get3A_1, %mul3A_2 : vector<512x200xi32>
    %get3A_4 = arith.constant 0 : index
    %get3A_5 = arith.constant 0 : index
    %get3A_6 = vector.load %arg2[%get3A_4, %get3A_5] : memref<512x200xi32, #tpu.memory_space<vmem>>, vector<512x200xi32>
    %mul3A_7 = arith.constant 6 : i32
    %mul3A_8 = vector.broadcast %mul3A_7 : i32 to vector<512x200xi32>
    %mul3A_9 = arith.muli %get3A_6, %mul3A_8 : vector<512x200xi32>
    %add3A = arith.addi %mul3A_3, %mul3A_9 : vector<512x200xi32>
    %get3A_10 = arith.constant 0 : index
    %get3A_11 = arith.constant 0 : index
    %get3A_12 = vector.load %arg3[%get3A_10, %get3A_11] : memref<512x200xi32, #tpu.memory_space<vmem>>, vector<512x200xi32>
    %add3A_13 = arith.addi %add3A, %get3A_12 : vector<512x200xi32>
    %swap3A = arith.constant 0 : index
    %swap3A_14 = arith.constant 0 : index
    %swap3A_15 = vector.load %arg11[%swap3A, %swap3A_14] : memref<512x200xi32, #tpu.memory_space<vmem>>, vector<512x200xi32>
    tpu.vector_store %arg11[%swap3A, %swap3A_14], %add3A_13 {strides = array<i32>} : memref<512x200xi32, #tpu.memory_space<vmem>>, vector<512x200xi32>,
    %eq3A = arith.constant 0 : i32
    %eq3A_16 = arith.cmpi eq, %arg0, %eq3A : i32
    %convert_element_type3A = arith.extui %eq3A_16 : i1 to i32
    %cond3A = arith.constant 0 : i32
    %cond3A_17 = arith.cmpi ne, %convert_element_type3A, %cond3A : i32
    scf.if %cond3A_17 {
      %get3A_18 = arith.constant 0 : index
      %get3A_19 = arith.constant 0 : index
      %get3A_20 = vector.load %arg7[%get3A_18, %get3A_19] : memref<128x224xf32, #tpu.memory_space<vmem>>, vector<128x224xf32>
      %get3A_21 = arith.constant 0 : index
      %get3A_22 = arith.constant 0 : index
      %get3A_23 = vector.load %arg4[%get3A_21, %get3A_22] : memref<27x128xf32, #tpu.memory_space<vmem>>, vector<27x128xf32>
      %slice3A = vector.extract_strided_slice %get3A_20 {offsets = [0, 0], sizes = [128, 128], strides = [1, 1]} : vector<128x224xf32> to vector<128x128xf32>
      %dot_general3A = arith.constant dense<0.000000e+00> : vector<27x128xf32>
      %dot_general3A_24 = tpu.matmul %get3A_23, %slice3A, %dot_general3A {dimension_numbers = #tpu.dot_dimension_numbers<[1], [1], [0], [0], [0, 0, 1, 0], [], []>, transpose_lhs_hint = false} : vector<27x128xf32>, vector<128x128xf32>, vector<27x128xf32> -> vector<27x128xf32>
      %get3A_25 = arith.constant 0 : index
      %get3A_26 = arith.constant 0 : index
      %get3A_27 = vector.load %arg5[%get3A_25, %get3A_26] : memref<12x32xf32, #tpu.memory_space<vmem>>, vector<12x32xf32>
      %slice3A_28 = vector.extract_strided_slice %get3A_20 {offsets = [0, 128], sizes = [128, 32], strides = [1, 1]} : vector<128x224xf32> to vector<128x32xf32>
      %dot_general3A_29 = arith.constant dense<0.000000e+00> : vector<12x128xf32>
      %dot_general3A_30 = tpu.matmul %get3A_27, %slice3A_28, %dot_general3A_29 {dimension_numbers = #tpu.dot_dimension_numbers<[1], [1], [0], [0], [0, 0, 1, 0], [], []>, transpose_lhs_hint = false} : vector<12x32xf32>, vector<128x32xf32>, vector<12x128xf32> -> vector<12x128xf32>
      %get3A_31 = arith.constant 0 : index
      %get3A_32 = arith.constant 0 : index
      %get3A_33 = vector.load %arg6[%get3A_31, %get3A_32] : memref<6x64xf32, #tpu.memory_space<vmem>>, vector<6x64xf32>
      %slice3A_34 = vector.extract_strided_slice %get3A_20 {offsets = [0, 160], sizes = [128, 64], strides = [1, 1]} : vector<128x224xf32> to vector<128x64xf32>
      %dot_general3A_35 = arith.constant dense<0.000000e+00> : vector<6x128xf32>
      %dot_general3A_36 = tpu.matmul %get3A_33, %slice3A_34, %dot_general3A_35 {dimension_numbers = #tpu.dot_dimension_numbers<[1], [1], [0], [0], [0, 0, 1, 0], [], []>, transpose_lhs_hint = false} : vector<6x64xf32>, vector<128x64xf32>, vector<6x128xf32> -> vector<6x128xf32>
      %iota3A = tpu.iota {dimensions = array<i32: 0>} : vector<1944x27xi32>
      %iota3A_37 = tpu.iota {dimensions = array<i32: 1>} : vector<1944x27xi32>
      %jit3A = arith.constant 72 : i32
      %div3A = vector.broadcast %jit3A : i32 to vector<1944x27xi32>
      %div3A_38 = arith.divsi %iota3A, %div3A : vector<1944x27xi32>
      %sign3A = arith.constant 0 : i32
      %sign3A_39 = vector.broadcast %sign3A : i32 to vector<1944x27xi32>
      %sign3A_40 = arith.cmpi sgt, %iota3A, %sign3A_39 : vector<1944x27xi32>
      %sign3A_41 = arith.extui %sign3A_40 : vector<1944x27xi1> to vector<1944x27xi32>
      %sign3A_42 = arith.constant 0 : i32
      %sign3A_43 = vector.broadcast %sign3A_42 : i32 to vector<1944x27xi32>
      %sign3A_44 = arith.cmpi slt, %iota3A, %sign3A_43 : vector<1944x27xi32>
      %sign3A_45 = arith.extui %sign3A_44 : vector<1944x27xi1> to vector<1944x27xi32>
      %sign3A_46 = arith.subi %sign3A_41, %sign3A_45 : vector<1944x27xi32>
      %sign3A_47 = arith.constant 0 : i32
      %sign3A_48 = arith.cmpi sgt, %jit3A, %sign3A_47 : i32
      %sign3A_49 = arith.extui %sign3A_48 : i1 to i32
      %sign3A_50 = arith.constant 0 : i32
      %sign3A_51 = arith.cmpi slt, %jit3A, %sign3A_50 : i32
      %sign3A_52 = arith.extui %sign3A_51 : i1 to i32
      %sign3A_53 = arith.subi %sign3A_49, %sign3A_52 : i32
      %ne3A = vector.broadcast %sign3A_53 : i32 to vector<1944x27xi32>
      %ne3A_54 = arith.cmpi ne, %sign3A_46, %ne3A : vector<1944x27xi32>
      %rem3A = vector.broadcast %jit3A : i32 to vector<1944x27xi32>
      %rem3A_55 = arith.remsi %iota3A, %rem3A : vector<1944x27xi32>
      %ne3A_56 = arith.constant 0 : i32
      %ne3A_57 = vector.broadcast %ne3A_56 : i32 to vector<1944x27xi32>
      %ne3A_58 = arith.cmpi ne, %rem3A_55, %ne3A_57 : vector<1944x27xi32>
      %and3A = arith.andi %ne3A_54, %ne3A_58 : vector<1944x27xi1>
      %sub3A = arith.constant 1 : i32
      %sub3A_59 = vector.broadcast %sub3A : i32 to vector<1944x27xi32>
      %sub3A_60 = arith.subi %div3A_38, %sub3A_59 : vector<1944x27xi32>
      %select_n3A = arith.select %and3A, %sub3A_60, %div3A_38 : vector<1944x27xi1>, vector<1944x27xi32>
      %jit3A_61 = arith.constant 27 : i32
      %eq3A_62 = arith.constant 0 : i32
      %eq3A_63 = arith.cmpi eq, %jit3A_61, %eq3A_62 : i32
      %jit3A_64 = arith.constant 1 : i32
      %select_n3A_65 = arith.select %eq3A_63, %jit3A_64, %jit3A_61 : i32
      %rem3A_66 = vector.broadcast %select_n3A_65 : i32 to vector<1944x27xi32>
      %rem3A_67 = arith.remsi %select_n3A, %rem3A_66 : vector<1944x27xi32>
      %ne3A_68 = arith.constant 0 : i32
      %ne3A_69 = vector.broadcast %ne3A_68 : i32 to vector<1944x27xi32>
      %ne3A_70 = arith.cmpi ne, %rem3A_67, %ne3A_69 : vector<1944x27xi32>
      %lt3A = arith.constant 0 : i32
      %lt3A_71 = vector.broadcast %lt3A : i32 to vector<1944x27xi32>
      %lt3A_72 = arith.cmpi slt, %rem3A_67, %lt3A_71 : vector<1944x27xi32>
      %lt3A_73 = arith.constant 0 : i32
      %lt3A_74 = arith.cmpi slt, %select_n3A_65, %lt3A_73 : i32
      %ne3A_75 = vector.broadcast %lt3A_74 : i1 to vector<1944x27xi1>
      %ne3A_76 = vector.broadcast %ne3A_75 : vector<1944x27xi1> to vector<1944x27xi1>
      %ne3A_77 = arith.xori %lt3A_72, %ne3A_76 : vector<1944x27xi1>
      %and3A_78 = arith.andi %ne3A_77, %ne3A_70 : vector<1944x27xi1>
      %add3A_79 = vector.broadcast %select_n3A_65 : i32 to vector<1944x27xi32>
      %add3A_80 = arith.addi %rem3A_67, %add3A_79 : vector<1944x27xi32>
      %select_n3A_81 = arith.select %and3A_78, %add3A_80, %rem3A_67 : vector<1944x27xi1>, vector<1944x27xi32>
      %eq3A_82 = arith.cmpi eq, %select_n3A_81, %iota3A_37 : vector<1944x27xi32>
      %convert_element_type3A_83 = arith.extui %eq3A_82 : vector<1944x27xi1> to vector<1944x27xi32>
      %convert_element_type3A_84 = arith.sitofp %convert_element_type3A_83 : vector<1944x27xi32> to vector<1944x27xf32>
      %dot_general3A_85 = arith.constant dense<0.000000e+00> : vector<1944x128xf32>
      %dot_general3A_86 = tpu.matmul %convert_element_type3A_84, %dot_general3A_24, %dot_general3A_85 {dimension_numbers = #tpu.dot_dimension_numbers<[1], [0], [0], [1], [0, 0, 1, 1], [], []>, transpose_lhs_hint = false} : vector<1944x27xf32>, vector<27x128xf32>, vector<1944x128xf32> -> vector<1944x128xf32>
      %iota3A_87 = tpu.iota {dimensions = array<i32: 0>} : vector<1944x12xi32>
      %iota3A_88 = tpu.iota {dimensions = array<i32: 1>} : vector<1944x12xi32>
      %jit3A_89 = arith.constant 6 : i32
      %div3A_90 = vector.broadcast %jit3A_89 : i32 to vector<1944x12xi32>
      %div3A_91 = arith.divsi %iota3A_87, %div3A_90 : vector<1944x12xi32>
      %sign3A_92 = arith.constant 0 : i32
      %sign3A_93 = vector.broadcast %sign3A_92 : i32 to vector<1944x12xi32>
      %sign3A_94 = arith.cmpi sgt, %iota3A_87, %sign3A_93 : vector<1944x12xi32>
      %sign3A_95 = arith.extui %sign3A_94 : vector<1944x12xi1> to vector<1944x12xi32>
      %sign3A_96 = arith.constant 0 : i32
      %sign3A_97 = vector.broadcast %sign3A_96 : i32 to vector<1944x12xi32>
      %sign3A_98 = arith.cmpi slt, %iota3A_87, %sign3A_97 : vector<1944x12xi32>
      %sign3A_99 = arith.extui %sign3A_98 : vector<1944x12xi1> to vector<1944x12xi32>
      %sign3A_100 = arith.subi %sign3A_95, %sign3A_99 : vector<1944x12xi32>
      %sign3A_101 = arith.constant 0 : i32
      %sign3A_102 = arith.cmpi sgt, %jit3A_89, %sign3A_101 : i32
      %sign3A_103 = arith.extui %sign3A_102 : i1 to i32
      %sign3A_104 = arith.constant 0 : i32
      %sign3A_105 = arith.cmpi slt, %jit3A_89, %sign3A_104 : i32
      %sign3A_106 = arith.extui %sign3A_105 : i1 to i32
      %sign3A_107 = arith.subi %sign3A_103, %sign3A_106 : i32
      %ne3A_108 = vector.broadcast %sign3A_107 : i32 to vector<1944x12xi32>
      %ne3A_109 = arith.cmpi ne, %sign3A_100, %ne3A_108 : vector<1944x12xi32>
      %rem3A_110 = vector.broadcast %jit3A_89 : i32 to vector<1944x12xi32>
      %rem3A_111 = arith.remsi %iota3A_87, %rem3A_110 : vector<1944x12xi32>
      %ne3A_112 = arith.constant 0 : i32
      %ne3A_113 = vector.broadcast %ne3A_112 : i32 to vector<1944x12xi32>
      %ne3A_114 = arith.cmpi ne, %rem3A_111, %ne3A_113 : vector<1944x12xi32>
      %and3A_115 = arith.andi %ne3A_109, %ne3A_114 : vector<1944x12xi1>
      %sub3A_116 = arith.constant 1 : i32
      %sub3A_117 = vector.broadcast %sub3A_116 : i32 to vector<1944x12xi32>
      %sub3A_118 = arith.subi %div3A_91, %sub3A_117 : vector<1944x12xi32>
      %select_n3A_119 = arith.select %and3A_115, %sub3A_118, %div3A_91 : vector<1944x12xi1>, vector<1944x12xi32>
      %jit3A_120 = arith.constant 12 : i32
      %eq3A_121 = arith.constant 0 : i32
      %eq3A_122 = arith.cmpi eq, %jit3A_120, %eq3A_121 : i32
      %jit3A_123 = arith.constant 1 : i32
      %select_n3A_124 = arith.select %eq3A_122, %jit3A_123, %jit3A_120 : i32
      %rem3A_125 = vector.broadcast %select_n3A_124 : i32 to vector<1944x12xi32>
      %rem3A_126 = arith.remsi %select_n3A_119, %rem3A_125 : vector<1944x12xi32>
      %ne3A_127 = arith.constant 0 : i32
      %ne3A_128 = vector.broadcast %ne3A_127 : i32 to vector<1944x12xi32>
      %ne3A_129 = arith.cmpi ne, %rem3A_126, %ne3A_128 : vector<1944x12xi32>
      %lt3A_130 = arith.constant 0 : i32
      %lt3A_131 = vector.broadcast %lt3A_130 : i32 to vector<1944x12xi32>
      %lt3A_132 = arith.cmpi slt, %rem3A_126, %lt3A_131 : vector<1944x12xi32>
      %lt3A_133 = arith.constant 0 : i32
      %lt3A_134 = arith.cmpi slt, %select_n3A_124, %lt3A_133 : i32
      %ne3A_135 = vector.broadcast %lt3A_134 : i1 to vector<1944x12xi1>
      %ne3A_136 = vector.broadcast %ne3A_135 : vector<1944x12xi1> to vector<1944x12xi1>
      %ne3A_137 = arith.xori %lt3A_132, %ne3A_136 : vector<1944x12xi1>
      %and3A_138 = arith.andi %ne3A_137, %ne3A_129 : vector<1944x12xi1>
      %add3A_139 = vector.broadcast %select_n3A_124 : i32 to vector<1944x12xi32>
      %add3A_140 = arith.addi %rem3A_126, %add3A_139 : vector<1944x12xi32>
      %select_n3A_141 = arith.select %and3A_138, %add3A_140, %rem3A_126 : vector<1944x12xi1>, vector<1944x12xi32>
      %eq3A_142 = arith.cmpi eq, %select_n3A_141, %iota3A_88 : vector<1944x12xi32>
      %convert_element_type3A_143 = arith.extui %eq3A_142 : vector<1944x12xi1> to vector<1944x12xi32>
      %convert_element_type3A_144 = arith.sitofp %convert_element_type3A_143 : vector<1944x12xi32> to vector<1944x12xf32>
      %dot_general3A_145 = arith.constant dense<0.000000e+00> : vector<1944x128xf32>
      %dot_general3A_146 = tpu.matmul %convert_element_type3A_144, %dot_general3A_30, %dot_general3A_145 {dimension_numbers = #tpu.dot_dimension_numbers<[1], [0], [0], [1], [0, 0, 1, 1], [], []>, transpose_lhs_hint = false} : vector<1944x12xf32>, vector<12x128xf32>, vector<1944x128xf32> -> vector<1944x128xf32>
      %add3A_147 = arith.addf %dot_general3A_86, %dot_general3A_146 : vector<1944x128xf32>
      %iota3A_148 = tpu.iota {dimensions = array<i32: 0>} : vector<1944x6xi32>
      %iota3A_149 = tpu.iota {dimensions = array<i32: 1>} : vector<1944x6xi32>
      %jit3A_150 = arith.constant 1 : i32
      %div3A_151 = vector.broadcast %jit3A_150 : i32 to vector<1944x6xi32>
      %div3A_152 = arith.divsi %iota3A_148, %div3A_151 : vector<1944x6xi32>
      %sign3A_153 = arith.constant 0 : i32
      %sign3A_154 = vector.broadcast %sign3A_153 : i32 to vector<1944x6xi32>
      %sign3A_155 = arith.cmpi sgt, %iota3A_148, %sign3A_154 : vector<1944x6xi32>
      %sign3A_156 = arith.extui %sign3A_155 : vector<1944x6xi1> to vector<1944x6xi32>
      %sign3A_157 = arith.constant 0 : i32
      %sign3A_158 = vector.broadcast %sign3A_157 : i32 to vector<1944x6xi32>
      %sign3A_159 = arith.cmpi slt, %iota3A_148, %sign3A_158 : vector<1944x6xi32>
      %sign3A_160 = arith.extui %sign3A_159 : vector<1944x6xi1> to vector<1944x6xi32>
      %sign3A_161 = arith.subi %sign3A_156, %sign3A_160 : vector<1944x6xi32>
      %sign3A_162 = arith.constant 0 : i32
      %sign3A_163 = arith.cmpi sgt, %jit3A_150, %sign3A_162 : i32
      %sign3A_164 = arith.extui %sign3A_163 : i1 to i32
      %sign3A_165 = arith.constant 0 : i32
      %sign3A_166 = arith.cmpi slt, %jit3A_150, %sign3A_165 : i32
      %sign3A_167 = arith.extui %sign3A_166 : i1 to i32
      %sign3A_168 = arith.subi %sign3A_164, %sign3A_167 : i32
      %ne3A_169 = vector.broadcast %sign3A_168 : i32 to vector<1944x6xi32>
      %ne3A_170 = arith.cmpi ne, %sign3A_161, %ne3A_169 : vector<1944x6xi32>
      %rem3A_171 = vector.broadcast %jit3A_150 : i32 to vector<1944x6xi32>
      %rem3A_172 = arith.remsi %iota3A_148, %rem3A_171 : vector<1944x6xi32>
      %ne3A_173 = arith.constant 0 : i32
      %ne3A_174 = vector.broadcast %ne3A_173 : i32 to vector<1944x6xi32>
      %ne3A_175 = arith.cmpi ne, %rem3A_172, %ne3A_174 : vector<1944x6xi32>
      %and3A_176 = arith.andi %ne3A_170, %ne3A_175 : vector<1944x6xi1>
      %sub3A_177 = arith.constant 1 : i32
      %sub3A_178 = vector.broadcast %sub3A_177 : i32 to vector<1944x6xi32>
      %sub3A_179 = arith.subi %div3A_152, %sub3A_178 : vector<1944x6xi32>
      %select_n3A_180 = arith.select %and3A_176, %sub3A_179, %div3A_152 : vector<1944x6xi1>, vector<1944x6xi32>
      %jit3A_181 = arith.constant 6 : i32
      %eq3A_182 = arith.constant 0 : i32
      %eq3A_183 = arith.cmpi eq, %jit3A_181, %eq3A_182 : i32
      %jit3A_184 = arith.constant 1 : i32
      %select_n3A_185 = arith.select %eq3A_183, %jit3A_184, %jit3A_181 : i32
      %rem3A_186 = vector.broadcast %select_n3A_185 : i32 to vector<1944x6xi32>
      %rem3A_187 = arith.remsi %select_n3A_180, %rem3A_186 : vector<1944x6xi32>
      %ne3A_188 = arith.constant 0 : i32
      %ne3A_189 = vector.broadcast %ne3A_188 : i32 to vector<1944x6xi32>
      %ne3A_190 = arith.cmpi ne, %rem3A_187, %ne3A_189 : vector<1944x6xi32>
      %lt3A_191 = arith.constant 0 : i32
      %lt3A_192 = vector.broadcast %lt3A_191 : i32 to vector<1944x6xi32>
      %lt3A_193 = arith.cmpi slt, %rem3A_187, %lt3A_192 : vector<1944x6xi32>
      %lt3A_194 = arith.constant 0 : i32
      %lt3A_195 = arith.cmpi slt, %select_n3A_185, %lt3A_194 : i32
      %ne3A_196 = vector.broadcast %lt3A_195 : i1 to vector<1944x6xi1>
      %ne3A_197 = vector.broadcast %ne3A_196 : vector<1944x6xi1> to vector<1944x6xi1>
      %ne3A_198 = arith.xori %lt3A_193, %ne3A_197 : vector<1944x6xi1>
      %and3A_199 = arith.andi %ne3A_198, %ne3A_190 : vector<1944x6xi1>
      %add3A_200 = vector.broadcast %select_n3A_185 : i32 to vector<1944x6xi32>
      %add3A_201 = arith.addi %rem3A_187, %add3A_200 : vector<1944x6xi32>
      %select_n3A_202 = arith.select %and3A_199, %add3A_201, %rem3A_187 : vector<1944x6xi1>, vector<1944x6xi32>
      %eq3A_203 = arith.cmpi eq, %select_n3A_202, %iota3A_149 : vector<1944x6xi32>
      %convert_element_type3A_204 = arith.extui %eq3A_203 : vector<1944x6xi1> to vector<1944x6xi32>
      %convert_element_type3A_205 = arith.sitofp %convert_element_type3A_204 : vector<1944x6xi32> to vector<1944x6xf32>
      %dot_general3A_206 = arith.constant dense<0.000000e+00> : vector<1944x128xf32>
      %dot_general3A_207 = tpu.matmul %convert_element_type3A_205, %dot_general3A_36, %dot_general3A_206 {dimension_numbers = #tpu.dot_dimension_numbers<[1], [0], [0], [1], [0, 0, 1, 1], [], []>, transpose_lhs_hint = false} : vector<1944x6xf32>, vector<6x128xf32>, vector<1944x128xf32> -> vector<1944x128xf32>
      %add3A_208 = arith.addf %add3A_147, %dot_general3A_207 : vector<1944x128xf32>
      %get3A_209 = arith.constant 0 : index
      %get3A_210 = arith.constant 0 : index
      %get3A_211 = vector.load %arg8[%get3A_209, %get3A_210] : memref<1x128xf32, #tpu.memory_space<vmem>>, vector<1x128xf32>
      %add3A_212 = vector.broadcast %get3A_211 : vector<1x128xf32> to vector<1944x128xf32>
      %add3A_213 = arith.addf %add3A_208, %add3A_212 : vector<1944x128xf32>
      %reduce_sum3A = arith.constant dense<0.000000e+00> : vector<1944xf32>
      %reduce_sum3A_214 = vector.multi_reduction <add>, %add3A_213, %reduce_sum3A [1] : vector<1944x128xf32> to vector<1944xf32>
      %broadcast_in_dim3A = vector.shape_cast %reduce_sum3A_214 : vector<1944xf32> to vector<1944x1xf32>
      %div3A_215 = arith.constant 1.280000e+02 : f32
      %div3A_216 = vector.broadcast %div3A_215 : f32 to vector<1944x1xf32>
      %div3A_217 = arith.divf %broadcast_in_dim3A, %div3A_216 : vector<1944x1xf32>
      %sub3A_218 = vector.broadcast %div3A_217 : vector<1944x1xf32> to vector<1944x128xf32>
      %sub3A_219 = arith.subf %add3A_213, %sub3A_218 : vector<1944x128xf32>
      %mul3A_220 = arith.mulf %sub3A_219, %sub3A_219 : vector<1944x128xf32>
      %reduce_sum3A_221 = arith.constant dense<0.000000e+00> : vector<1944xf32>
      %reduce_sum3A_222 = vector.multi_reduction <add>, %mul3A_220, %reduce_sum3A_221 [1] : vector<1944x128xf32> to vector<1944xf32>
      %broadcast_in_dim3A_223 = vector.shape_cast %reduce_sum3A_222 : vector<1944xf32> to vector<1944x1xf32>
      %div3A_224 = arith.constant 1.280000e+02 : f32
      %div3A_225 = vector.broadcast %div3A_224 : f32 to vector<1944x1xf32>
      %div3A_226 = arith.divf %broadcast_in_dim3A_223, %div3A_225 : vector<1944x1xf32>
      %add3A_227 = arith.constant 9.99999974E-6 : f32
      %add3A_228 = vector.broadcast %add3A_227 : f32 to vector<1944x1xf32>
      %add3A_229 = arith.addf %div3A_226, %add3A_228 : vector<1944x1xf32>
      %sqrt3A = math.sqrt %add3A_229 : vector<1944x1xf32>
      %div3A_230 = vector.broadcast %sqrt3A : vector<1944x1xf32> to vector<1944x128xf32>
      %div3A_231 = arith.divf %sub3A_219, %div3A_230 : vector<1944x128xf32>
      %get3A_232 = arith.constant 0 : index
      %get3A_233 = arith.constant 0 : index
      %get3A_234 = vector.load %arg9[%get3A_232, %get3A_233] : memref<1x128xf32, #tpu.memory_space<vmem>>, vector<1x128xf32>
      %mul3A_235 = vector.broadcast %get3A_234 : vector<1x128xf32> to vector<1944x128xf32>
      %mul3A_236 = arith.mulf %div3A_231, %mul3A_235 : vector<1944x128xf32>
      %get3A_237 = arith.constant 0 : index
      %get3A_238 = arith.constant 0 : index
      %get3A_239 = vector.load %arg10[%get3A_237, %get3A_238] : memref<1x128xf32, #tpu.memory_space<vmem>>, vector<1x128xf32>
      %add3A_240 = vector.broadcast %get3A_239 : vector<1x128xf32> to vector<1944x128xf32>
      %add3A_241 = arith.addf %mul3A_236, %add3A_240 : vector<1944x128xf32>
      %swap3A_242 = arith.constant 0 : index
      %swap3A_243 = arith.constant 0 : index
      %swap3A_244 = vector.load %arg12[%swap3A_242, %swap3A_243] : memref<1944x128xf32, #tpu.memory_space<vmem>>, vector<1944x128xf32>
      tpu.vector_store %arg12[%swap3A_242, %swap3A_243], %add3A_241 {strides = array<i32>} : memref<1944x128xf32, #tpu.memory_space<vmem>>, vector<1944x128xf32>,
    } else {
    }
    return
  }
  func.func @transform_0(%arg0: i32) -> (i32, i32) {
    %c0_i32 = arith.constant 0 : i32
    %c0_i32_0 = arith.constant 0 : i32
    return %arg0, %c0_i32 : i32, i32
  }
  func.func @transform_1(%arg0: i32) -> (i32, i32) {
    %c0_i32 = arith.constant 0 : i32
    %c0_i32_0 = arith.constant 0 : i32
    return %arg0, %c0_i32 : i32, i32
  }
  func.func @transform_2(%arg0: i32) -> (i32, i32) {
    %c0_i32 = arith.constant 0 : i32
    %c0_i32_0 = arith.constant 0 : i32
    return %arg0, %c0_i32 : i32, i32
  }
  func.func @transform_3(%arg0: i32) -> (i32, i32) {
    %c0_i32 = arith.constant 0 : i32
    %c0_i32_0 = arith.constant 0 : i32
    %c0_i32_1 = arith.constant 0 : i32
    return %c0_i32, %c0_i32_0 : i32, i32
  }
  func.func @transform_4(%arg0: i32) -> (i32, i32) {
    %c0_i32 = arith.constant 0 : i32
    %c0_i32_0 = arith.constant 0 : i32
    %c0_i32_1 = arith.constant 0 : i32
    return %c0_i32, %c0_i32_0 : i32, i32
  }
  func.func @transform_5(%arg0: i32) -> (i32, i32) {
    %c0_i32 = arith.constant 0 : i32
    %c0_i32_0 = arith.constant 0 : i32
    %c0_i32_1 = arith.constant 0 : i32
    return %c0_i32, %c0_i32_0 : i32, i32
  }
  func.func @transform_6(%arg0: i32) -> (i32, i32) {
    %c0_i32 = arith.constant 0 : i32
    %c0_i32_0 = arith.constant 0 : i32
    %c0_i32_1 = arith.constant 0 : i32
    return %c0_i32, %c0_i32_0 : i32, i32
  }
  func.func @transform_7(%arg0: i32) -> (i32, i32) {
    %c0_i32 = arith.constant 0 : i32
    %c0_i32_0 = arith.constant 0 : i32
    %c0_i32_1 = arith.constant 0 : i32
    return %c0_i32, %c0_i32_0 : i32, i32
  }
  func.func @transform_8(%arg0: i32) -> (i32, i32) {
    %c0_i32 = arith.constant 0 : i32
    %c0_i32_0 = arith.constant 0 : i32
    %c0_i32_1 = arith.constant 0 : i32
    return %c0_i32, %c0_i32_0 : i32, i32
  }
  func.func @transform_9(%arg0: i32) -> (i32, i32) {
    %c0_i32 = arith.constant 0 : i32
    %c0_i32_0 = arith.constant 0 : i32
    %c0_i32_1 = arith.constant 0 : i32
    return %c0_i32, %c0_i32_0 : i32, i32
  }
  func.func @transform_10(%arg0: i32) -> (i32, i32) {
    %c0_i32 = arith.constant 0 : i32
    %c0_i32_0 = arith.constant 0 : i32
    return %arg0, %c0_i32 : i32, i32
  }
  func.func @transform_11(%arg0: i32) -> (i32, i32) {
    %c0_i32 = arith.constant 0 : i32
    %c0_i32_0 = arith.constant 0 : i32
    %c0_i32_1 = arith.constant 0 : i32
    return %c0_i32, %c0_i32_0 : i32, i32
  }
}

</mosaic_0001>

<sc_bundles>
// kernel: kernel.4.cloned.1.call-start
scs
__scs_entry_jumppad:
0x0: {  	(pc) =	sbr.rel $0x88, $3  }
0x1: {  	(tag) =	ssettag $0x0;
	lr =	simm.s32 $0x1  }
0x2: {  	[smem:$0x3F97] =	sst lr;
	_ =	strace $0xD0000000  }
0x3: {  	_ = 	snop  }
0x4: {  	_ = 	snop  }
0x5: {  	_ = 	snop  }
0x6: {  	_ = 	snop  }
0x7: {  	_ = 	snop  }
__scs_overlays_trampoline_lowered:
0x8: {  	[smem:$0x3FA6] =	sst s0  }
0x9: {  	[smem:$0x3FA7] =	sst s1  }
0xa: {  	[smem:$0x3FA8] =	sst s2  }
0xb: {  	[smem:$0x3FA9] =	sst s3  }
0xc: {  	[smem:$0x3FAA] =	sst s4  }
0xd: {  	[smem:$0x3FAB] =	sst s5  }
0xe: {  	[smem:$0x3FAC] =	sst s6  }
0xf: {  	[smem:$0x3FAD] =	sst s7  }
0x10: {  	[smem:$0x3FAE] =	sst s8  }
0x11: {  	[smem:$0x3FAF] =	sst s9;
	s0 =	simm.s32 @!p0 $0x0  }
0x12: {  	s1 =	sld [smem:$0x3F95];
	s0 =	simm.s32 @p0 $0x1  }
0x13: {  	[smem:$0x3FB0] =	sst s0;
	s0 =	simm.s32 @!p1 $0x0  }
0x14: {  	s2 =	sld [smem:$0x3F94];
	s0 =	simm.s32 @p1 $0x1  }
0x15: {  	[smem:$0x3FB1] =	sst s0;
	s0 =	simm.s32 @!p2 $0x0  }
0x16: {  	s3 =	sld [smem:$0x3FDB];
	s0 =	simm.s32 @p2 $0x1  }
0x17: {  	s4 =	simm.s32 $0x1BF5;
	[smem:$0x3FB3] =	sst s0  }
0x18: {  	s0 =	sld [smem:$0x3F96];
	_ =	swait.ge [sflag:s4], $0x0  }
0x19: {  	s7 =	sld [smem:$0x3F97]  }
0x1a: {  	s8 =	sadd.s32 $0xFFFFE003, lr  }
0x1b: {  	s9 =	sadd.s32 $0xFFFFFEF7, lr;
	s5 =	simm.s32 $0xFFFFFFFF;
	p2 =	slt.u32 s8, $0xFFFFF086  }
0x1c: {  	p1 =	slt.u32 s9, $0xF7A;
	s5 =	simm.s32 @!p2 $0x0  }
0x1d: {  	s5 =	simm.s32 @p1 $0x1;
	p0 =	seq.s32 s7, s2  }
0x1e: {  	s7 =	smul.u32 @!p0 $0xF7A, s2;
	p2 =	seq.s32 @!p0 s5, $0x0  }
0x1f: {  	s9 =	smul.u32 $0xF7A, s1;
	s8 =	simm.s32 @!p0 $0x1BF5;
	p2 =	por !p2, p0  }
0x20: {  	[sflag:s8] =	ssyncset.s32 @!p0 $0xFFFFF086;
	s6 =	sadd.s32 @!p0 s3, s7;
	s7 =	simm.s32 @!p0 $0x108  }
0x21: {  	s3 =	sadd.s32 s3, s9;
	s6 =	sadd.s32 @!p0 $0x88, s6;
	s7 =	simm.s32 @p2 $0x1082  }
0x22: {  	[simem:s7], [sflag:s8] =	dma.local @!p0 [hbm:s6], $0xF7A  }
0x23: {  	s9 =	sor.u32 $0xD0000000, s2;
	s6 =	simm.s32 $0x108;
	_ =	swait.ge @!p0 [sflag:s8], $0x0  }
0x24: {  	s3 =	sadd.s32 $0x88, s3;
	s6 =	simm.s32 @!p1 $0x1082;
	[sflag:s4] =	ssyncset.s32 $0xFFFFF086  }
0x25: {  	[simem:s6], [sflag:s4] =	dma.local [hbm:s3], $0xF7A  }
0x26: {  	[smem:$0x3F97] =	sst s1;
	(tag) =	ssettag s2;
	_ =	strace s9  }
0x27: {  	s1 =	sld [smem:$0x3FA7]  }
0x28: {  	s2 =	sld [smem:$0x3FA8]  }
0x29: {  	s4 =	sld [smem:$0x3FAA]  }
0x2a: {  	p0 =	seq.s32 s5, $0x0;
	s5 =	sld [smem:$0x3FAB]  }
0x2b: {  	s6 =	sld [smem:$0x3FAC]  }
0x2c: {  	s7 =	sld [smem:$0x3FAD]  }
0x2d: {  	s3 =	simm.s32 $0x108;
	s8 =	sld [smem:$0x3FAE]  }
0x2e: {  	s3 =	simm.s32 @!p0 $0x1082;
	s9 =	sld [smem:$0x3FAF]  }
0x2f: {  	lr =	sadd.s32 s0, s3;
	s0 =	sld [smem:$0x3FA6]  }
0x30: {  	s3 =	sld [smem:$0x3FA9]  }
0x31: {  	[smem:$0x3FB2] =	sst s10  }
0x32: {  	s10 =	sld [smem:$0x3FB0];
	_ =	sdelay $0x3  }
0x33: {  	p0 =	seq.s32 s10, $0x1;
	s10 =	sld [smem:$0x3FB2];
	_ =	sdelay $0x3  }
0x34: {  	[smem:$0x3FB2] =	sst s10  }
0x35: {  	s10 =	sld [smem:$0x3FB1];
	_ =	sdelay $0x3  }
0x36: {  	p1 =	seq.s32 s10, $0x1;
	s10 =	sld [smem:$0x3FB2];
	_ =	sdelay $0x3  }
0x37: {  	[smem:$0x3FB2] =	sst s10  }
0x38: {  	s10 =	sld [smem:$0x3FB3]  }
0x39: {  	_ = 	snop;
	(pc) =	sbr.ind lr, $3  }
0x3a: {  	_ = 	snop  }
0x3b: {  	_ = 	snop  }
0x3c: {  	p2 =	seq.s32 s10, $0x1;
	s10 =	sld [smem:$0x3FB2]  }
0x3d: {  	_ =	shalt  }
0x3e: {  	_ =	shalt  }
0x3f: {  	_ =	shalt  }
0x40: {  	_ =	shalt  }
0x41: {  	_ =	shalt  }
0x42: {  	_ =	shalt  }
0x43: {  	_ =	shalt  }
0x44: {  	_ =	shalt  }
0x45: {  	_ =	shalt  }
0x46: {  	_ =	shalt  }
0x47: {  	_ =	shalt  }
0x48: {  	_ =	shalt  }
0x49: {  	_ =	shalt  }
0x4a: {  	_ =	shalt  }
0x4b: {  	_ =	shalt  }
0x4c: {  	_ =	shalt  }
0x4d: {  	_ =	shalt  }
0x4e: {  	_ =	shalt  }
0x4f: {  	_ =	shalt  }
0x50: {  	_ =	shalt  }
0x51: {  	_ =	shalt  }
0x52: {  	_ =	shalt  }
0x53: {  	_ =	shalt  }
0x54: {  	_ =	shalt  }
0x55: {  	_ =	shalt  }
0x56: {  	_ =	shalt  }
0x57: {  	_ =	shalt  }
0x58: {  	_ =	shalt  }
0x59: {  	_ =	shalt  }
0x5a: {  	_ =	shalt  }
0x5b: {  	_ =	shalt  }
0x5c: {  	_ =	shalt  }
0x5d: {  	_ =	shalt  }
0x5e: {  	_ =	shalt  }
0x5f: {  	_ =	shalt  }
0x60: {  	_ =	shalt  }
0x61: {  	_ =	shalt  }
0x62: {  	_ =	shalt  }
0x63: {  	_ =	shalt  }
0x64: {  	_ =	shalt  }
0x65: {  	_ =	shalt  }
0x66: {  	_ =	shalt  }
0x67: {  	_ =	shalt  }
0x68: {  	_ =	shalt  }
0x69: {  	_ =	shalt  }
0x6a: {  	_ =	shalt  }
0x6b: {  	_ =	shalt  }
0x6c: {  	_ =	shalt  }
0x6d: {  	_ =	shalt  }
0x6e: {  	_ =	shalt  }
0x6f: {  	_ =	shalt  }
0x70: {  	_ =	shalt  }
0x71: {  	_ =	shalt  }
0x72: {  	_ =	shalt  }
0x73: {  	_ =	shalt  }
0x74: {  	_ =	shalt  }
0x75: {  	_ =	shalt  }
0x76: {  	_ =	shalt  }
0x77: {  	_ =	shalt  }
0x78: {  	_ =	shalt  }
0x79: {  	_ =	shalt  }
0x7a: {  	_ =	shalt  }
0x7b: {  	_ =	shalt  }
0x7c: {  	_ =	shalt  }
0x7d: {  	_ =	shalt  }
0x7e: {  	_ =	shalt  }
0x7f: {  	_ =	shalt  }
0x80: {  	_ =	shalt  }
0x81: {  	_ =	shalt  }
0x82: {  	_ =	shalt  }
0x83: {  	_ =	shalt  }
0x84: {  	_ =	shalt  }
0x85: {  	_ =	shalt  }
0x86: {  	_ =	shalt  }
0x87: {  	_ =	shalt  }
.Lfunc_end0:
.L_simem_size_0:
called_computation_lowered:
.L_overlay_start_0:
0x88: {  	s2 =	sld [smem:$0x3FD9]  }
0x89: {  	s3 =	sld [smem:$0x3FFE];
	_ =	sdelay $0x1  }
0x8a: {  	s1 =	srdreg.scid  }
0x8b: {  	s0 =	sand.u32 $0x1, s1  }
0x8c: {  	s17 =	sshll.u32 s0, $0xA;
	s2 =	sadd.s32 s3, s2  }
0x8d: {  	s2 =	sadd.s32 s2, s17  }
0x8e: {  	[smem:$0x3FBE] =	sst s2  }
0x8f: {  	_ = 	snop  }
0x90: {  	s2 =	sld [smem:$0x3FD0];
	(tm) =	ssettm $0x1  }
0x91: {  	s18 =	sld [smem:$0x3FFB];
	_ =	sdelay $0x3  }
0x92: {  	_ =	strace s18  }
0x93: {  	s3 =	sld [smem:$0x3FFC];
	_ =	sdelay $0x3  }
0x94: {  	_ =	strace s3  }
0x95: {  	s3 =	sld [smem:$0x3FFD];
	_ =	sdelay $0x3  }
0x96: {  	_ =	strace s3  }
0x97: {  	_ =	strace $0x8FFFFFFF  }
0x98: {  	s19 =	sld [smem:$0x3FDB];
	_ =	sdelay $0x1  }
0x99: {  	s4 =	simm.s32 $_scs_section_size  }
0x9a: {  	s5 =	simm.s32 $_size__tile_overlayer_lowered;
	s6 =	simm.s32 $_tile_overlayer_lowered  }
0x9b: {  	s22 =	simm.s32 $0x1BFF;
	s21 =	sshll.u32 s6, $0x1;
	s3 =	sadd.s32 s4, s19  }
0x9c: {  	s7 =	simm.s32 $0x0;
	s20 =	sshll.u32 s5, $0x1;
	s5 =	sadd.s32 s21, s3  }
0x9d: {  	[timem:s7], [sflag:s22] =	dma.local [hbm:s5], s20  }
0x9e: {  	_ =	swait.ge [sflag:s22], s20  }
0x9f: {  	s4 =	ssub.s32 $0x0, s20;
	[sflag:s22] =	ssyncset.done $0x0  }
0xa0: {  	[sflag:s22] =	ssyncadd.s32 s4;
	_ =	sdelay $0x1  }
0xa1: {  	s23 =	simm.s32 $0x1B8B  }
0xa2: {  	_ =	swait.ge [sflag:s23], $0x1  }
0xa3: {  	[sflag:s23] =	ssyncset.done $0x0  }
0xa4: {  	s25 =	simm.s32 $0x1B8E;
	s24 =	sld [smem:$0x3FFE];
	[sflag:s23] =	ssyncadd.s32 $0xFFFFFFFF  }
0xa5: {  	s26 =	simm.s32 $execute0_lowered;
	[smem:$0x3FD2] =	sst s25  }
0xa6: {  	s5 =	sshll.u32 s26, $0x1;
	_ =	strace $0x80000046;
	[dreg:$0x1] =	wrdreg $0xFFFFFFFF  }
0xa7: {  	s28 =	simm.s32 $_size_execute0_lowered;
	s3 =	sadd.s32 s3, s5;
	[dreg:$0x0] =	wrdreg $0x0  }
0xa8: {  	s5 =	sshll.u32 s28, $0x1;
	[dreg:$0x2] =	wrdreg s3  }
0xa9: {  	[dreg:$0x3] =	wrdreg s5  }
0xaa: {  	[dreg:$0x4] =	wrdreg $0xC0  }
0xab: {  	_ =	task [dreg:s7], $0x5FFFF  }
0xac: {  	[dreg:$0x1] =	wrdreg $0xFFFFFFFF  }
0xad: {  	[dreg:$0x0] =	wrdreg $0x60  }
0xae: {  	[dreg:$0x2] =	wrdreg s24  }
0xaf: {  	[dreg:$0x3] =	wrdreg s2  }
0xb0: {  	[dreg:$0x4] =	wrdreg $0x1A4000  }
0xb1: {  	[dreg:$0x5] =	wrdreg $0x9  }
0xb2: {  	_ =	task.clear_ibuf [dreg:s7], $0x6FFFF;
	_ =	strace $0x90000046  }
0xb3: {  	s29 =	simm.s32 $0x9;
	_ =	strace $0x80000048  }
0xb4: {  	_ =	swait.ge [sflag:s29], $0x1  }
0xb5: {  	[sflag:s29] =	ssyncadd.s32 $0xFFFFFFFF  }
0xb6: {  	_ =	strace $0x90000048  }
0xb7: {  	_ =	sfence  }
0xb8: {  	s30 =	sld [smem:$0x0];
	_ =	sdelay $0x2  }
0xb9: {  	s31 =	sshll.u32 s1, $0xD;
	s1 =	sshrl.u32 s1, $0x2  }
0xba: {  	s3 =	sand.u32 $0x4000, s31;
	s1 =	sadd.s32 s1, s30  }
0xbb: {  	s0 =	sor.u32 s3, s0;
	s1 =	sshll.u32 s1, $0x11  }
0xbc: {  	s0 =	sor.u32 s1, s0  }
0xbd: {  	s0 =	sadd.s32 $0x8F2B, s0  }
0xbe: {  	[sflag:s0] =	ssyncadd.remote.s32 $0x1  }
0xbf: {  	_ =	sfence.sel $0xFFFF  }
0xc0: {  	[dreg:$0x0] =	wrdreg $0xFFFFFFFF;
	(pc) =	sbr.abs _section_cstart, $3  }
0xc1: {  	[dreg:$0x1] =	wrdreg $0xFFFFFFFF  }
0xc2: {  	_ =	task.clear_ibuf [dreg:s7], $0x2FFFF;
	_ =	strace $0x9FFFFFFF  }
0xc3: {  	(tm) =	ssettm $0x7FFFFFFF  }
tec
execute0_lowered:
.L_overlay_start_1:
0x0: {  	(tag) =	ssettag $0x1  }
0x1: {  	s0 =	rddreg [dreg:$0x0]  }
0x2: {  	s3 =	rddreg [dreg:$0x1]  }
0x3: {  	s1 =	rddreg [dreg:$0x2];
	s4 =	srdreg.scid  }
0x4: {  	s6 =	stileid.u32;
	s2 =	simm.s32 $0x0;
	s28 =	simm.s32 $0x2  }
0x5: {  	s30 =	simm.s32 $0x16400;
	s31 =	simm.s32 $0x3;
	s29 =	simm.s32 $0x7  }
0x6: {  	s4 =	sand.u32 $0x1, s4;
	s5 =	sshll.u32 s6, $0x1;
	[smem:$0x7FF] =	sst s2  }
0x7: {  	s8 =	sadd.s32 $0x1800, s0;
	s22 =	smul.u32 $0xC8000, s6;
	s5 =	sor.u32 s4, s5  }
0x8: {  	p0 =	sne.s32 s6, $0x0;
	s6 =	simm.s32 $0xA;
	s7 =	smul.u32 $0xC80, s5  }
0x9: {  	_ =	strace $0x80000047;
	s16 =	ssub.s32 $0x2, s4;
	s9 =	smul.u32 $0x64000, s5  }
0xa: {  	[dreg:$0x4] =	wrdreg s8;
	s17 =	sshrl.u32 s16, $0x1;
	s10 =	smul.u32 $0x320000, s5  }
0xb: {  	s4 =	smul.u32 $0x64000, s4;
	s0 =	sadd.s32 s7, s0;
	s7 =	ssub.s32 s16, s17  }
0xc: {  	s5 =	sadd.s32 s3, s9;
	s20 =	sshrl.u32 s10, $0x3;
	s0 =	sadd.s32 $0x9200, s0  }
0xd: {  	s17 =	sshrl.u32 @!p0 s1, $0x3;
	s18 =	sadd.s32 $0x800, s5;
	[dreg:$0x5] =	wrdreg s0  }
0xe: {  	s19 =	sadd.s32 $0x1000, s5;
	s21 =	sadd.s32 $0x1800, s5;
	[dreg:$0x6] =	wrdreg s18  }
0xf: {  	s9 =	sadd.s32 $0x2000, s5;
	s15 =	smax.u32 s7, $0x1;
	[dreg:$0x7] =	wrdreg s19  }
0x10: {  	s7 =	simm.s32 $0x0;
	[dreg:$0x8] =	wrdreg s21;
	s0 =	sadd.s32 s3, s20  }
0x11: {  	[dreg:$0x9] =	wrdreg s9;
	s3 =	sadd.s32 s22, s3;
	s18 =	simm.s32 $0xB  }
0x12: {  	s19 =	simm.s32 $0x80;
	s20 =	simm.s32 $0x6400;
	s21 =	simm.s32 $0xA400  }
0x13: {  	s22 =	simm.s32 $0x5;
	s23 =	sadd.s32 $0x61800, s0;
	s24 =	sadd.s32 $0x62000, s0  }
0x14: {  	s25 =	sadd.s32 $0x62800, s0;
	s13 =	sadd.s32 $0x63000, s0;
	s14 =	sadd.s32 $0x63800, s0  }
0x15: {  	s26 =	sadd.s32 s4, s3;
	s0 =	simm.s32 $0x6;
	[dreg:$0xa] =	wrdreg s23  }
0x16: {  	s3 =	simm.s32 $0x8;
	s4 =	simm.s32 $0x9;
	[dreg:$0xb] =	wrdreg s24  }
0x17: {  	[dreg:$0xc] =	wrdreg s25;
	s10 =	sadd.s32 $0x4800, s26;
	s23 =	simm.s32 $0xE400  }
0x18: {  	s24 =	simm.s32 $0x1;
	s26 =	simm.s32 $0x12400;
	s25 =	simm.s32 $0x4  }
.LBB2_1:
0x19: {  	s8 =	simm.s32 @!p0 $0x1C0B;
	s9 =	rddreg [dreg:$0x4]  }
0x1a: {  	[spmem:s17], [sflag:s8] =	dma.local @!p0 [hbm:s9], $0x7980  }
0x1b: {  	s8 =	simm.s32 @!p0 $0xB  }
0x1c: {  	_ =	swait.ge @!p0 [sflag:s8], $0x7980  }
0x1d: {  	[sflag:s8] =	ssyncset.done @!p0 $0x0  }
0x1e: {  	s11 =	rddreg [dreg:$0x5];
	[sflag:s8] =	ssyncadd.s32 @!p0 $0xFFFF8680  }
0x1f: {  	[tilespmem:s2], [sflag:$0xB] =	stream.linear.gather [hbm4b:s11+s2], $0x6400, $0x38;
	[tilespmem:$0x1E0C0] =	vst v63  }
0x20: {  	_ =	swait.ge [sflag:s18], $0x6400  }
0x21: {  	[sflag:s18] =	ssyncset.done $0x0  }
0x22: {  	[sflag:s18] =	ssyncadd.s32 $0xFFFF9C00  }
0x23: {  	[bflag:$0x0] =	sbarrier.arrive $0xFFFF  }
0x24: {  	[tilespmem:s20], [sflag:$0x1] =	stream.indirect.gather [spmem:s1], $0x80, s2, s19, $0xb8;
	[tilespmem:$0x1E0C0] =	vst v63  }
0x25: {  	_ = 	snop  }
0x26: {  	[tilespmem:s21], [sflag:$0x2] =	stream.indirect.gather [spmem:s1], $0x80, s19, s19, $0xb8;
	[tilespmem:$0x1E0C0] =	vst v63  }
0x27: {  	s12 =	simm.s32 $0x100  }
0x28: {  	[tilespmem:s23], [sflag:$0x3] =	stream.indirect.gather [spmem:s1], $0x80, s12, s19, $0xb8;
	[tilespmem:$0x1E0C0] =	vst v63  }
0x29: {  	_ =	swait.ge [sflag:s24], $0x4000  }
0x2a: {  	[sflag:s24] =	ssyncset.done $0x0  }
0x2b: {  	[sflag:s24] =	ssyncadd.s32 $0xFFFFC000  }
0x2c: {  	[hbm4b:s5+s2] =	stream.linear.scatter [tilespmem:s20], [sflag:$0x6], $0x4000, $0x38;
	[tilespmem:$0x1E0C0] =	vst v63  }
0x2d: {  	s16 =	simm.s32 $0x180  }
0x2e: {  	[tilespmem:s26], [sflag:$0x4] =	stream.indirect.gather [spmem:s1], $0x80, s16, s19, $0xb8;
	[tilespmem:$0x1E0C0] =	vst v63  }
0x2f: {  	_ =	swait.ge [sflag:s28], $0x4000  }
0x30: {  	[sflag:s28] =	ssyncset.done $0x0  }
0x31: {  	s9 =	rddreg [dreg:$0x6];
	[sflag:s28] =	ssyncadd.s32 $0xFFFFC000  }
0x32: {  	[hbm4b:s9+s2] =	stream.linear.scatter [tilespmem:s21], [sflag:$0x7], $0x4000, $0x38;
	[tilespmem:$0x1E0C0] =	vst v63  }
0x33: {  	s11 =	simm.s32 $0x200  }
0x34: {  	[tilespmem:s30], [sflag:$0x5] =	stream.indirect.gather [spmem:s1], $0x80, s11, s19, $0xb8;
	[tilespmem:$0x1E0C0] =	vst v63  }
0x35: {  	_ =	swait.ge [sflag:s31], $0x4000  }
0x36: {  	[sflag:s31] =	ssyncset.done $0x0  }
0x37: {  	s12 =	rddreg [dreg:$0x7];
	[sflag:s31] =	ssyncadd.s32 $0xFFFFC000  }
0x38: {  	[hbm4b:s12+s2] =	stream.linear.scatter [tilespmem:s23], [sflag:$0x8], $0x4000, $0x38;
	[tilespmem:$0x1E0C0] =	vst v63  }
0x39: {  	_ =	swait.ge [sflag:s0], $0x4000  }
0x3a: {  	[sflag:s0] =	ssyncset.done $0x0  }
0x3b: {  	s16 =	simm.s32 $0x280;
	[sflag:s0] =	ssyncadd.s32 $0xFFFFC000  }
0x3c: {  	[tilespmem:s20], [sflag:$0x1] =	stream.indirect.gather [spmem:s1], $0x80, s16, s19, $0xb8;
	[tilespmem:$0x1E0C0] =	vst v63  }
0x3d: {  	_ =	swait.ge [sflag:s25], $0x4000  }
0x3e: {  	[sflag:s25] =	ssyncset.done $0x0  }
0x3f: {  	s9 =	rddreg [dreg:$0x8];
	[sflag:s25] =	ssyncadd.s32 $0xFFFFC000  }
0x40: {  	[hbm4b:s9+s2] =	stream.linear.scatter [tilespmem:s26], [sflag:$0x9], $0x4000, $0x38;
	[tilespmem:$0x1E0C0] =	vst v63  }
0x41: {  	_ =	swait.ge [sflag:s29], $0x4000  }
0x42: {  	[sflag:s29] =	ssyncset.done $0x0  }
0x43: {  	s11 =	simm.s32 $0x300;
	[sflag:s29] =	ssyncadd.s32 $0xFFFFC000  }
0x44: {  	[tilespmem:s21], [sflag:$0x2] =	stream.indirect.gather [spmem:s1], $0x80, s11, s19, $0xb8;
	[tilespmem:$0x1E0C0] =	vst v63  }
0x45: {  	_ =	swait.ge [sflag:s22], $0x4000  }
0x46: {  	[sflag:s22] =	ssyncset.done $0x0  }
0x47: {  	s12 =	rddreg [dreg:$0x9];
	[sflag:s22] =	ssyncadd.s32 $0xFFFFC000  }
0x48: {  	[hbm4b:s12+s2] =	stream.linear.scatter [tilespmem:s30], [sflag:$0xA], $0x4000, $0x38;
	[tilespmem:$0x1E0C0] =	vst v63  }
0x49: {  	_ =	swait.ge [sflag:s3], $0x4000  }
0x4a: {  	[sflag:s3] =	ssyncset.done $0x0  }
0x4b: {  	s16 =	simm.s32 $0x380;
	[sflag:s3] =	ssyncadd.s32 $0xFFFFC000  }
0x4c: {  	[tilespmem:s23], [sflag:$0x3] =	stream.indirect.gather [spmem:s1], $0x80, s16, s19, $0xb8;
	[tilespmem:$0x1E0C0] =	vst v63  }
0x4d: {  	_ =	swait.ge [sflag:s24], $0x4000  }
0x4e: {  	[sflag:s24] =	ssyncset.done $0x0  }
0x4f: {  	s9 =	sadd.s32 $0xFFFFE000, s10;
	[sflag:s24] =	ssyncadd.s32 $0xFFFFC000  }
0x50: {  	[hbm4b:s9+s2] =	stream.linear.scatter [tilespmem:s20], [sflag:$0x6], $0x4000, $0x38;
	[tilespmem:$0x1E0C0] =	vst v63  }
0x51: {  	_ =	swait.ge [sflag:s4], $0x4000  }
0x52: {  	[sflag:s4] =	ssyncset.done $0x0  }
0x53: {  	s11 =	simm.s32 $0x400;
	[sflag:s4] =	ssyncadd.s32 $0xFFFFC000  }
0x54: {  	[tilespmem:s26], [sflag:$0x4] =	stream.indirect.gather [spmem:s1], $0x80, s11, s19, $0xb8;
	[tilespmem:$0x1E0C0] =	vst v63  }
0x55: {  	_ =	swait.ge [sflag:s28], $0x4000  }
0x56: {  	[sflag:s28] =	ssyncset.done $0x0  }
0x57: {  	s12 =	sadd.s32 $0xFFFFE800, s10;
	[sflag:s28] =	ssyncadd.s32 $0xFFFFC000  }
0x58: {  	[hbm4b:s12+s2] =	stream.linear.scatter [tilespmem:s21], [sflag:$0x7], $0x4000, $0x38;
	[tilespmem:$0x1E0C0] =	vst v63  }
0x59: {  	_ =	swait.ge [sflag:s6], $0x4000  }
0x5a: {  	[sflag:s6] =	ssyncset.done $0x0  }
0x5b: {  	s16 =	simm.s32 $0x480;
	[sflag:s6] =	ssyncadd.s32 $0xFFFFC000  }
0x5c: {  	[tilespmem:s30], [sflag:$0x5] =	stream.indirect.gather [spmem:s1], $0x80, s16, s19, $0xb8;
	[tilespmem:$0x1E0C0] =	vst v63  }
0x5d: {  	_ =	swait.ge [sflag:s31], $0x4000  }
0x5e: {  	[sflag:s31] =	ssyncset.done $0x0  }
0x5f: {  	s9 =	sadd.s32 $0xFFFFF000, s10;
	[sflag:s31] =	ssyncadd.s32 $0xFFFFC000  }
0x60: {  	[hbm4b:s9+s2] =	stream.linear.scatter [tilespmem:s23], [sflag:$0x8], $0x4000, $0x38;
	[tilespmem:$0x1E0C0] =	vst v63  }
0x61: {  	_ =	swait.ge [sflag:s0], $0x4000  }
0x62: {  	[sflag:s0] =	ssyncset.done $0x0  }
0x63: {  	s11 =	simm.s32 $0x500;
	[sflag:s0] =	ssyncadd.s32 $0xFFFFC000  }
0x64: {  	[tilespmem:s20], [sflag:$0x1] =	stream.indirect.gather [spmem:s1], $0x80, s11, s19, $0xb8;
	[tilespmem:$0x1E0C0] =	vst v63  }
0x65: {  	_ =	swait.ge [sflag:s25], $0x4000  }
0x66: {  	[sflag:s25] =	ssyncset.done $0x0  }
0x67: {  	s12 =	sadd.s32 $0xFFFFF800, s10;
	[sflag:s25] =	ssyncadd.s32 $0xFFFFC000  }
0x68: {  	[hbm4b:s12+s2] =	stream.linear.scatter [tilespmem:s26], [sflag:$0x9], $0x4000, $0x38;
	[tilespmem:$0x1E0C0] =	vst v63  }
0x69: {  	_ =	swait.ge [sflag:s29], $0x4000  }
0x6a: {  	[sflag:s29] =	ssyncset.done $0x0  }
0x6b: {  	s16 =	simm.s32 $0x580;
	[sflag:s29] =	ssyncadd.s32 $0xFFFFC000  }
0x6c: {  	[tilespmem:s21], [sflag:$0x2] =	stream.indirect.gather [spmem:s1], $0x80, s16, s19, $0xb8;
	[tilespmem:$0x1E0C0] =	vst v63  }
0x6d: {  	_ =	swait.ge [sflag:s22], $0x4000  }
0x6e: {  	s8 =	simm.s32 $0xA00;
	[sflag:s22] =	ssyncset.done $0x0  }
0x6f: {  	s9 =	sadd.s32 $0x2800, s10;
	s16 =	smov.u32 s10;
	[sflag:s22] =	ssyncadd.s32 $0xFFFFC000  }
.LBB2_2:
0x70: {  	[hbm4b:s16+s2] =	stream.linear.scatter [tilespmem:s30], [sflag:$0xA], $0x4000, $0x38;
	[tilespmem:$0x1E0C0] =	vst v63  }
0x71: {  	s11 =	smov.u32 s8;
	s16 =	smov.u32 s9  }
0x72: {  	p1 =	sne.s32 s8, $0x17200;
	s8 =	sadd.s32 $0xA00, s8;
	_ =	swait.ge [sflag:s3], $0x4000  }
0x73: {  	s11 =	sshra.s32 s11, $0x2;
	[sflag:s3] =	ssyncset.done $0x0  }
0x74: {  	s12 =	sadd.s32 $0x380, s11;
	[sflag:s3] =	ssyncadd.s32 $0xFFFFC000  }
0x75: {  	[tilespmem:s23], [sflag:$0x3] =	stream.indirect.gather [spmem:s1], $0x80, s12, s19, $0xb8;
	[tilespmem:$0x1E0C0] =	vst v63  }
0x76: {  	_ =	swait.ge [sflag:s24], $0x4000  }
0x77: {  	[sflag:s24] =	ssyncset.done $0x0  }
0x78: {  	s12 =	sadd.s32 $0xFFFFE000, s9;
	[sflag:s24] =	ssyncadd.s32 $0xFFFFC000  }
0x79: {  	[hbm4b:s12+s2] =	stream.linear.scatter [tilespmem:s20], [sflag:$0x6], $0x4000, $0x38;
	[tilespmem:$0x1E0C0] =	vst v63  }
0x7a: {  	_ =	swait.ge [sflag:s4], $0x4000  }
0x7b: {  	[sflag:s4] =	ssyncset.done $0x0  }
0x7c: {  	s12 =	sadd.s32 $0x400, s11;
	[sflag:s4] =	ssyncadd.s32 $0xFFFFC000  }
0x7d: {  	[tilespmem:s26], [sflag:$0x4] =	stream.indirect.gather [spmem:s1], $0x80, s12, s19, $0xb8;
	[tilespmem:$0x1E0C0] =	vst v63  }
0x7e: {  	_ =	swait.ge [sflag:s28], $0x4000  }
0x7f: {  	[sflag:s28] =	ssyncset.done $0x0  }
0x80: {  	s12 =	sadd.s32 $0xFFFFE800, s9;
	[sflag:s28] =	ssyncadd.s32 $0xFFFFC000  }
0x81: {  	[hbm4b:s12+s2] =	stream.linear.scatter [tilespmem:s21], [sflag:$0x7], $0x4000, $0x38;
	[tilespmem:$0x1E0C0] =	vst v63  }
0x82: {  	_ =	swait.ge [sflag:s6], $0x4000  }
0x83: {  	[sflag:s6] =	ssyncset.done $0x0  }
0x84: {  	s12 =	sadd.s32 $0x480, s11;
	[sflag:s6] =	ssyncadd.s32 $0xFFFFC000  }
0x85: {  	[tilespmem:s30], [sflag:$0x5] =	stream.indirect.gather [spmem:s1], $0x80, s12, s19, $0xb8;
	[tilespmem:$0x1E0C0] =	vst v63  }
0x86: {  	_ =	swait.ge [sflag:s31], $0x4000  }
0x87: {  	[sflag:s31] =	ssyncset.done $0x0  }
0x88: {  	s12 =	sadd.s32 $0xFFFFF000, s9;
	[sflag:s31] =	ssyncadd.s32 $0xFFFFC000  }
0x89: {  	[hbm4b:s12+s2] =	stream.linear.scatter [tilespmem:s23], [sflag:$0x8], $0x4000, $0x38;
	[tilespmem:$0x1E0C0] =	vst v63  }
0x8a: {  	_ =	swait.ge [sflag:s0], $0x4000  }
0x8b: {  	[sflag:s0] =	ssyncset.done $0x0  }
0x8c: {  	s12 =	sadd.s32 $0x500, s11;
	[sflag:s0] =	ssyncadd.s32 $0xFFFFC000  }
0x8d: {  	[tilespmem:s20], [sflag:$0x1] =	stream.indirect.gather [spmem:s1], $0x80, s12, s19, $0xb8;
	[tilespmem:$0x1E0C0] =	vst v63  }
0x8e: {  	_ =	swait.ge [sflag:s25], $0x4000  }
0x8f: {  	[sflag:s25] =	ssyncset.done $0x0  }
0x90: {  	s12 =	sadd.s32 $0xFFFFF800, s9;
	[sflag:s25] =	ssyncadd.s32 $0xFFFFC000  }
0x91: {  	[hbm4b:s12+s2] =	stream.linear.scatter [tilespmem:s26], [sflag:$0x9], $0x4000, $0x38;
	[tilespmem:$0x1E0C0] =	vst v63  }
0x92: {  	_ =	swait.ge [sflag:s29], $0x4000  }
0x93: {  	[sflag:s29] =	ssyncset.done $0x0  }
.Ltmp0:
0x94: {  	s11 =	sadd.s32 $0x580, s11;
	[sflag:s29] =	ssyncadd.s32 $0xFFFFC000;
	(pc) =	sbr.rel @p1 .LBB2_2-.Ltmp0, $4  }
0x95: {  	[tilespmem:s21], [sflag:$0x2] =	stream.indirect.gather [spmem:s1], $0x80, s11, s19, $0xb8;
	[tilespmem:$0x1E0C0] =	vst v63  }
0x96: {  	_ =	swait.ge [sflag:s22], $0x4000  }
0x97: {  	[sflag:s22] =	ssyncset.done $0x0  }
0x98: {  	s9 =	sadd.s32 $0x2800, s9;
	[sflag:s22] =	ssyncadd.s32 $0xFFFFC000  }
0x99: {  	[hbm4b:s16+s2] =	stream.linear.scatter [tilespmem:s30], [sflag:$0xA], $0x4000, $0x38;
	[tilespmem:$0x1E0C0] =	vst v63  }
0x9a: {  	_ =	swait.ge [sflag:s3], $0x4000  }
0x9b: {  	[sflag:s3] =	ssyncset.done $0x0  }
0x9c: {  	s8 =	simm.s32 $0x6280;
	[sflag:s3] =	ssyncadd.s32 $0xFFFFC000  }
0x9d: {  	[tilespmem:s23], [sflag:$0x3] =	stream.indirect.gather [spmem:s1], $0x80, s8, s19, $0xb8;
	[tilespmem:$0x1E0C0] =	vst v63  }
0x9e: {  	_ =	swait.ge [sflag:s24], $0x4000  }
0x9f: {  	[sflag:s24] =	ssyncset.done $0x0  }
0xa0: {  	s16 =	rddreg [dreg:$0xa];
	[sflag:s24] =	ssyncadd.s32 $0xFFFFC000  }
0xa1: {  	[hbm4b:s16+s2] =	stream.linear.scatter [tilespmem:s20], [sflag:$0x6], $0x4000, $0x38;
	[tilespmem:$0x1E0C0] =	vst v63  }
0xa2: {  	_ =	swait.ge [sflag:s4], $0x4000  }
0xa3: {  	[sflag:s4] =	ssyncset.done $0x0  }
0xa4: {  	s9 =	simm.s32 $0x6300;
	[sflag:s4] =	ssyncadd.s32 $0xFFFFC000  }
0xa5: {  	[tilespmem:s26], [sflag:$0x4] =	stream.indirect.gather [spmem:s1], $0x80, s9, s19, $0xb8;
	[tilespmem:$0x1E0C0] =	vst v63  }
0xa6: {  	_ =	swait.ge [sflag:s28], $0x4000  }
0xa7: {  	[sflag:s28] =	ssyncset.done $0x0  }
0xa8: {  	s11 =	rddreg [dreg:$0xb];
	[sflag:s28] =	ssyncadd.s32 $0xFFFFC000  }
0xa9: {  	[hbm4b:s11+s2] =	stream.linear.scatter [tilespmem:s21], [sflag:$0x7], $0x4000, $0x38;
	[tilespmem:$0x1E0C0] =	vst v63  }
0xaa: {  	_ =	swait.ge [sflag:s6], $0x4000  }
0xab: {  	[sflag:s6] =	ssyncset.done $0x0  }
0xac: {  	s12 =	simm.s32 $0x6380;
	[sflag:s6] =	ssyncadd.s32 $0xFFFFC000  }
0xad: {  	[tilespmem:s30], [sflag:$0x5] =	stream.indirect.gather [spmem:s1], $0x80, s12, s19, $0xb8;
	[tilespmem:$0x1E0C0] =	vst v63  }
0xae: {  	_ =	swait.ge [sflag:s31], $0x4000  }
0xaf: {  	[sflag:s31] =	ssyncset.done $0x0  }
0xb0: {  	s16 =	rddreg [dreg:$0xc];
	[sflag:s31] =	ssyncadd.s32 $0xFFFFC000  }
0xb1: {  	[hbm4b:s16+s2] =	stream.linear.scatter [tilespmem:s23], [sflag:$0x8], $0x4000, $0x38;
	[tilespmem:$0x1E0C0] =	vst v63  }
0xb2: {  	_ =	swait.ge [sflag:s0], $0x4000  }
0xb3: {  	[sflag:s0] =	ssyncset.done $0x0  }
0xb4: {  	[sflag:s0] =	ssyncadd.s32 $0xFFFFC000  }
0xb5: {  	_ =	swait.ge [sflag:s25], $0x4000  }
0xb6: {  	[sflag:s25] =	ssyncset.done $0x0  }
0xb7: {  	[sflag:s25] =	ssyncadd.s32 $0xFFFFC000  }
0xb8: {  	[hbm4b:s13+s2] =	stream.linear.scatter [tilespmem:s26], [sflag:$0x9], $0x4000, $0x38;
	[tilespmem:$0x1E0C0] =	vst v63  }
0xb9: {  	_ =	swait.ge [sflag:s29], $0x4000  }
0xba: {  	[sflag:s29] =	ssyncset.done $0x0  }
0xbb: {  	[sflag:s29] =	ssyncadd.s32 $0xFFFFC000  }
0xbc: {  	_ =	swait.ge [sflag:s22], $0x4000  }
0xbd: {  	[sflag:s22] =	ssyncset.done $0x0  }
0xbe: {  	[sflag:s22] =	ssyncadd.s32 $0xFFFFC000  }
0xbf: {  	[hbm4b:s14+s2] =	stream.linear.scatter [tilespmem:s30], [sflag:$0xA], $0x4000, $0x38;
	[tilespmem:$0x1E0C0] =	vst v63  }
0xc0: {  	_ =	swait.ge [sflag:s3], $0x4000  }
0xc1: {  	[sflag:s3] =	ssyncset.done $0x0  }
0xc2: {  	s7 =	sadd.s32 $0x1, s7;
	[sflag:s3] =	ssyncadd.s32 $0xFFFFC000  }
0xc3: {  	p1 =	sne.s32 s7, s15;
	_ =	swait.ge [sflag:s4], $0x4000  }
.Ltmp1:
0xc4: {  	[sflag:s4] =	ssyncset.done $0x0;
	(pc) =	sbr.rel @p1 .LBB2_1-.Ltmp1, $4  }
0xc5: {  	[sflag:s4] =	ssyncadd.s32 $0xFFFFC000  }
0xc6: {  	_ =	swait.ge [sflag:s6], $0x4000  }
0xc7: {  	[sflag:s6] =	ssyncset.done $0x0  }
0xc8: {  	[sflag:s6] =	ssyncadd.s32 $0xFFFFC000  }
0xc9: {  	_ =	sfence.sel $0x180000  }
0xca: {  	[bflag:$0x0] =	sbarrier.arrive $0xFFFF  }
0xcb: {  	_ =	strace $0x90000047  }
0xcc: {  	[bflag:$0x2] =	sbarrier.arrive $0xFFFF  }
0xcd: {  	s0 =	rddreg [dreg:$0x3]  }
0xce: {  	s0 =	sadd.s32 @!p0 $0x100000, s0  }
0xcf: {  	[sflag:s0] =	ssyncadd.tile.s32 @!p0 $0x1;
	_ =	shalt  }
.Lfunc_end2:
_tile_overlayer_lowered:
.L_overlay_start_2:
0xd0: {  	(tag) =	ssettag $0x2  }
0xd1: {  	s0 =	rddreg [dreg:$0x0];
	s2 =	stileid.u32  }
0xd2: {  	s1 =	rddreg [dreg:$0x1];
	p0 =	sne.s32 s2, $0x0  }
0xd3: {  	s3 =	rddreg [dreg:$0x2];
	[bflag:$0x3] =	sbarrier.arrive $0xFFFF;
	s2 =	simm.s32 @!p0 $0x1C0B  }
0xd4: {  	[timem:s3], [sflag:s2] =	dma.local @!p0 [hbm:s0], s1  }
0xd5: {  	s0 =	simm.s32 @!p0 $0xB  }
0xd6: {  	_ =	swait.ge @!p0 [sflag:s0], s1  }
0xd7: {  	s1 =	ssub.s32 @!p0 $0x0, s1;
	[sflag:s0] =	ssyncset.done @!p0 $0x0  }
0xd8: {  	[sflag:s0] =	ssyncadd.s32 @!p0 s1  }
0xd9: {  	[bflag:$0x3] =	sbarrier.arrive $0xFFFF  }
0xda: {  	_ =	shalt  }

</sc_bundles>
